<compile_context>
chip_gen: v7x
topology: tpu7x:2x2x1
jax: 0.10.2.dev20260603
libtpu: 0.0.44.dev20260713+nightly
codegen_flags: <defaults>
</compile_context>

<pallas_src>
import functools

import jax
import jax.numpy as jnp
from jax import lax
from jax.experimental import pallas as pl
from jax.experimental.pallas import tpu as pltpu
from jax.experimental.pallas import tpu_sc as plsc

N = 10000
E = 320000
DI = 128
H = 64
NC = 2
NS = 16
NW = NC * NS
K = 128
CH_T = 80
NCHP = CH_T * NW
SPAN = 640
NP = NS * SPAN

_mesh = plsc.VectorSubcoreMesh(core_axis_name="c", subcore_axis_name="s")


def _striped(src_fn, dst_fn, s):
    off = pl.multiple_of(s * SPAN, 128)
    pltpu.sync_copy(src_fn(off, SPAN), dst_fn(off, SPAN))


@functools.partial(
    pl.kernel,
    out_type=jax.ShapeDtypeStruct((NC, NP), jnp.float32),
    mesh=_mesh,
    scratch_types=[
        pltpu.VMEM((CH_T, K), jnp.int32),
        pltpu.VMEM((K,), jnp.float32),
        pltpu.SemaphoreType.DMA,
        pltpu.VMEM_SHARED((NP,), jnp.float32),
    ],
    compiler_params=pltpu.CompilerParams(use_tc_tiling_on_sc=False),
)
def _deg_kernel(dst2_h, z1_h, deg_o, dst_i, ones_v, dsem, deg_sh):
    c = lax.axis_index("c")
    s = lax.axis_index("s")
    wid = c * NS + s
    for i in range(K // 16):
        ones_v[pl.ds(i * 16, 16)] = jnp.ones((16,), jnp.float32)
    ibase = pl.multiple_of(wid * CH_T, 8)
    pltpu.sync_copy(dst2_h.at[pl.ds(ibase, CH_T)], dst_i)
    _striped(lambda o, n: z1_h.at[pl.ds(o, n)],
             lambda o, n: deg_sh.at[pl.ds(o, n)], s)
    plsc.subcore_barrier()

    def fire(j, carry):
        pltpu.async_copy(ones_v, deg_sh.at[dst_i.at[j]], dsem, add=True)
        return carry

    lax.fori_loop(0, CH_T, fire, 0)

    def drain(j, carry):
        pltpu.make_async_copy(ones_v, deg_sh.at[dst_i.at[j]], dsem).wait()
        return carry

    lax.fori_loop(0, CH_T, drain, 0)
    plsc.subcore_barrier()
    _striped(lambda o, n: deg_sh.at[pl.ds(o, n)],
             lambda o, n: deg_o.at[c, pl.ds(o, n)], s)


NBUF = 4
LEAD = 2


def _make_edge_pass(with_s):
    out_type = [jax.ShapeDtypeStruct((NC, NP, H), jnp.float32)]
    scratch = (
        [pltpu.VMEM((CH_T, K), jnp.int32)] * 2
        + [pltpu.VMEM((K, H), jnp.float32)] * NBUF
        + [pltpu.SemaphoreType.DMA] * (2 * NBUF)
        + [pltpu.VMEM_SHARED((NP, H), jnp.float32)]
    )
    if with_s:
        out_type.append(jax.ShapeDtypeStruct((NC, NP), jnp.float32))
        scratch += (
            [pltpu.VMEM((K,), jnp.float32)] * NBUF
            + [pltpu.SemaphoreType.DMA] * (2 * NBUF)
            + [pltpu.VMEM_SHARED((NP,), jnp.float32)]
        )

    def body(*args):
        if with_s:
            (hh_h, src2_h, dst2_h, dinv_h, z2_h, z1_h, agg_o, s_o), rest = args[:8], args[8:]
        else:
            (hh_h, src2_h, dst2_h, z2_h, agg_o), rest = args[:5], args[5:]
        src_i, dst_i = rest[0], rest[1]
        rows = rest[2:2 + NBUF]
        gsem = rest[2 + NBUF:2 + 2 * NBUF]
        csem = rest[2 + 2 * NBUF:2 + 3 * NBUF]
        agg_sh = rest[2 + 3 * NBUF]
        if with_s:
            r2 = rest[3 + 3 * NBUF:]
            vals = r2[:NBUF]
            vgsem = r2[NBUF:2 * NBUF]
            vcsem = r2[2 * NBUF:3 * NBUF]
            s_sh = r2[3 * NBUF]
        c = lax.axis_index("c")
        s = lax.axis_index("s")
        wid = c * NS + s
        ibase = pl.multiple_of(wid * CH_T, 8)
        pltpu.sync_copy(src2_h.at[pl.ds(ibase, CH_T)], src_i)
        pltpu.sync_copy(dst2_h.at[pl.ds(ibase, CH_T)], dst_i)

        def g_fire(j, b):
            pltpu.async_copy(hh_h.at[src_i.at[j]], rows[b], gsem[b])
            if with_s:
                pltpu.async_copy(dinv_h.at[dst_i.at[j]], vals[b], vgsem[b])

        def g_wait(j, b):
            pltpu.make_async_copy(hh_h.at[src_i.at[j]], rows[b], gsem[b]).wait()
            if with_s:
                pltpu.make_async_copy(dinv_h.at[dst_i.at[j]], vals[b],
                                      vgsem[b]).wait()

        def c_fire(j, b):
            pltpu.async_copy(rows[b], agg_sh.at[dst_i.at[j]], csem[b], add=True)
            if with_s:
                pltpu.async_copy(vals[b], s_sh.at[src_i.at[j]], vcsem[b],
                                 add=True)

        def c_wait(j, b):
            pltpu.make_async_copy(rows[b], agg_sh.at[dst_i.at[j]],
                                  csem[b]).wait()
            if with_s:
                pltpu.make_async_copy(vals[b], s_sh.at[src_i.at[j]],
                                      vcsem[b]).wait()

        for j0 in range(LEAD):
            g_fire(j0, j0)
        _striped(lambda o, n: z2_h.at[pl.ds(o, n)],
                 lambda o, n: agg_sh.at[pl.ds(o, n)], s)
        if with_s:
            _striped(lambda o, n: z1_h.at[pl.ds(o, n)],
                     lambda o, n: s_sh.at[pl.ds(o, n)], s)
        plsc.subcore_barrier()

        def group(g, carry):
            for b in range(NBUF):
                j = NBUF * g + b
                g_wait(j, b)
                c_fire(j, b)
                b2 = (b + LEAD) % NBUF

                @pl.when(j >= NBUF - LEAD)
                def _():
                    c_wait(j + LEAD - NBUF, b2)

                @pl.when(j + LEAD < CH_T)
                def _():
                    g_fire(j + LEAD, b2)
            return carry

        lax.fori_loop(0, CH_T // NBUF, group, 0)
        for t in range(NBUF - LEAD):
            jt = CH_T - (NBUF - LEAD) + t
            c_wait(jt, jt % NBUF)
        plsc.subcore_barrier()
        _striped(lambda o, n: agg_sh.at[pl.ds(o, n)],
                 lambda o, n: agg_o.at[c, pl.ds(o, n)], s)
        if with_s:
            _striped(lambda o, n: s_sh.at[pl.ds(o, n)],
                     lambda o, n: s_o.at[c, pl.ds(o, n)], s)

    return pl.kernel(
        body,
        out_type=tuple(out_type) if with_s else out_type[0],
        mesh=_mesh,
        scratch_types=scratch,
        compiler_params=pltpu.CompilerParams(use_tc_tiling_on_sc=False),
    )


_edge_pass_s = _make_edge_pass(True)
_edge_pass = _make_edge_pass(False)


_BR = 640
_GRID = NP // _BR


def _tc1_body(deg_ref, x_ref, w_ref, hh_ref, dinv_ref):
    d = deg_ref[...]
    dinv = lax.rsqrt(d[:, 0:1] + d[:, 1:2] + 1.0)
    hh_ref[...] = dinv * jnp.dot(x_ref[...], w_ref[...],
                                 preferred_element_type=jnp.float32)
    dinv_ref[...] = dinv


def _tc1(degT, x, W1):
    return pl.pallas_call(
        _tc1_body,
        grid=(_GRID,),
        in_specs=[
            pl.BlockSpec((_BR, NC), lambda i: (i, 0)),
            pl.BlockSpec((_BR, DI), lambda i: (i, 0)),
            pl.BlockSpec((DI, H), lambda i: (0, 0)),
        ],
        out_specs=[
            pl.BlockSpec((_BR, H), lambda i: (i, 0)),
            pl.BlockSpec((_BR, 1), lambda i: (i, 0)),
        ],
        out_shape=[
            jax.ShapeDtypeStruct((NP, H), jnp.float32),
            jax.ShapeDtypeStruct((NP, 1), jnp.float32),
        ],
    )(degT, x, W1)


def _tc2_body(agg_ref, hh_ref, dinv_ref, b_ref, w_ref, out_ref):
    a = agg_ref[0] + agg_ref[1]
    dinv = dinv_ref[...]
    h = jnp.maximum(dinv * (a + hh_ref[...]) + b_ref[...], 0.0)
    out_ref[...] = dinv * jnp.dot(h, w_ref[...],
                                  preferred_element_type=jnp.float32)


def _tc2(agg, hh, dinv, b, W):
    return pl.pallas_call(
        _tc2_body,
        grid=(_GRID,),
        in_specs=[
            pl.BlockSpec((NC, _BR, H), lambda i: (0, i, 0)),
            pl.BlockSpec((_BR, H), lambda i: (i, 0)),
            pl.BlockSpec((_BR, 1), lambda i: (i, 0)),
            pl.BlockSpec((1, H), lambda i: (0, 0)),
            pl.BlockSpec((H, H), lambda i: (0, 0)),
        ],
        out_specs=pl.BlockSpec((_BR, H), lambda i: (i, 0)),
        out_shape=jax.ShapeDtypeStruct((NP, H), jnp.float32),
    )(agg, hh, dinv, b, W)


def _tc3_body(agg_ref, hh_ref, dinv_ref, s_ref, b_ref,
              w3_ref, b3_ref, wc1_ref, bc1_ref, wc2_ref, bc2_ref,
              u_ref, o_ref):
    a = agg_ref[0] + agg_ref[1]
    dinv = dinv_ref[...]
    h2 = jnp.maximum(dinv * (a + hh_ref[...]) + b_ref[...], 0.0)
    sv = s_ref[...]
    w = dinv * (sv[:, 0:1] + sv[:, 1:2] + dinv)
    rowid = (lax.broadcasted_iota(jnp.int32, (_BR, 1), 0)
             + pl.program_id(0) * _BR)
    w = jnp.where(rowid < N, w, 0.0)

    @pl.when(pl.program_id(0) == 0)
    def _():
        u_ref[...] = jnp.zeros_like(u_ref)

    u_ref[...] += jnp.sum(w * h2, axis=0, keepdims=True)

    @pl.when(pl.program_id(0) == _GRID - 1)
    def _():
        g = jnp.dot(u_ref[...], w3_ref[...],
                    preferred_element_type=jnp.float32) * (1.0 / N) + b3_ref[...]
        z = jnp.maximum(jnp.dot(g, wc1_ref[...],
                                preferred_element_type=jnp.float32)
                        + bc1_ref[...], 0.0)
        o_ref[...] = jnp.dot(z, wc2_ref[...],
                             preferred_element_type=jnp.float32) + bc2_ref[...]


def _tc3(agg, hh, dinv, sT, b, W3, b3, Wc1, bc1, Wc2, bc2):
    full = lambda i: (0, 0)
    return pl.pallas_call(
        _tc3_body,
        grid=(_GRID,),
        in_specs=[
            pl.BlockSpec((NC, _BR, H), lambda i: (0, i, 0)),
            pl.BlockSpec((_BR, H), lambda i: (i, 0)),
            pl.BlockSpec((_BR, 1), lambda i: (i, 0)),
            pl.BlockSpec((_BR, NC), lambda i: (i, 0)),
            pl.BlockSpec((1, H), full),
            pl.BlockSpec((H, H), full),
            pl.BlockSpec((1, H), full),
            pl.BlockSpec((H, H // 2), full),
            pl.BlockSpec((1, H // 2), full),
            pl.BlockSpec((H // 2, 5), full),
            pl.BlockSpec((1, 5), full),
        ],
        out_specs=[
            pl.BlockSpec((1, H), full),
            pl.BlockSpec((1, 5), full),
        ],
        out_shape=[
            jax.ShapeDtypeStruct((1, H), jnp.float32),
            jax.ShapeDtypeStruct((1, 5), jnp.float32),
        ],
    )(agg, hh, dinv, sT, b, W3, b3, Wc1, bc1, Wc2, bc2)


@jax.jit
def kernel(x, edge_index, W1, b1, W2, b2, W3, b3, Wc1, bc1, Wc2, bc2):
    ei = edge_index.astype(jnp.int32)
    pad_idx = N + jnp.arange(NCHP * K - E, dtype=jnp.int32) % (NP - N)
    pad_idx = jnp.broadcast_to(pad_idx, (2, NCHP * K - E))
    ei2 = jnp.concatenate([ei, pad_idx], axis=1).reshape(2, NCHP, K)
    src2, dst2 = ei2[0], ei2[1]
    x_pad = jnp.pad(x, ((0, NP - N), (0, 0)))
    z1 = jnp.zeros((NP,), jnp.float32)
    z2 = jnp.zeros((NP, H), jnp.float32)

    degp = _deg_kernel(dst2, z1)
    hh1p, dinv = _tc1(degp.T, x_pad, W1)
    agg1, sp = _edge_pass_s(hh1p, src2, dst2, dinv[:, 0], z2, z1)
    hh2p = _tc2(agg1, hh1p, dinv, b1.reshape(1, H), W2)
    agg2 = _edge_pass(hh2p, src2, dst2, z2)
    _, out = _tc3(agg2, hh2p, dinv, sp.T, b2.reshape(1, H),
                  W3, b3.reshape(1, H), Wc1, bc1.reshape(1, H // 2),
                  Wc2, bc2.reshape(1, 5))
    return out

# --- scband reference (transcript-rebuilt; emitter-appended) ---
"""Pipeline reference for scband-gnnclassifier-76115410420332 (READ-ONLY COPY).

The authoritative reference and input builder live on the scoring server;
editing this copy changes nothing except your own understanding.
"""

import jax, jax.numpy as jnp
import numpy as np

N_NODES = 10000
N_EDGES = 320000
IN_DIM = 128
HID = 64
NUM_CLASSES = 5


def gcn_conv(x, src, dst, W, b, n_nodes):
    # linear transform (PyG GCNConv: lin without bias, bias added after aggregation)
    h = x @ W
    # degree with self-loops: deg[i] = (# incoming edges at i) + 1
    deg = jnp.zeros((n_nodes,), dtype=h.dtype).at[dst].add(1.0) + 1.0
    dinv = jax.lax.rsqrt(deg)
    # edge-wise symmetric normalization
    norm = dinv[src] * dinv[dst]
    msg = norm[:, None] * h[src]
    agg = jax.ops.segment_sum(msg, dst, num_segments=n_nodes)
    # self-loop contribution: norm_ii = dinv[i]^2
    agg = agg + (dinv * dinv)[:, None] * h
    return agg + b


def setup_inputs(seed: int = 0) -> dict:
    key = jax.random.key(seed)
    ks = jax.random.split(key, 12)
    x = jax.random.normal(ks[0], (N_NODES, IN_DIM), dtype=jnp.float32)
    edge_index = jax.random.randint(ks[1], (2, N_EDGES), 0, N_NODES, dtype=jnp.int64)
    def glorot(k, fan_in, fan_out):
        lim = float(np.sqrt(6.0 / (fan_in + fan_out)))
        return jax.random.uniform(k, (fan_in, fan_out), dtype=jnp.float32, minval=-lim, maxval=lim)
    return {
        "x": x,
        "edge_index": edge_index,
        "W1": glorot(ks[2], IN_DIM, HID), "b1": jnp.zeros((HID,), jnp.float32),
        "W2": glorot(ks[3], HID, HID), "b2": jnp.zeros((HID,), jnp.float32),
        "W3": glorot(ks[4], HID, HID), "b3": jnp.zeros((HID,), jnp.float32),
        "Wc1": glorot(ks[5], HID, HID // 2), "bc1": jnp.zeros((HID // 2,), jnp.float32),
        "Wc2": glorot(ks[6], HID // 2, NUM_CLASSES), "bc2": jnp.zeros((NUM_CLASSES,), jnp.float32),
    }


def reference(x, edge_index, W1, b1, W2, b2, W3, b3, Wc1, bc1, Wc2, bc2):
    src = edge_index[0]
    dst = edge_index[1]
    n = x.shape[0]
    h = gcn_conv(x, src, dst, W1, b1, n)
    h = jax.nn.relu(h)  # dropout is identity in eval mode
    h = gcn_conv(h, src, dst, W2, b2, n)
    h = jax.nn.relu(h)
    h = gcn_conv(h, src, dst, W3, b3, n)
    g = jnp.mean(h, axis=0, keepdims=True)  # [1, HID]
    g = jax.nn.relu(g @ Wc1 + bc1)
    out = g @ Wc2 + bc2  # [1, NUM_CLASSES]
    return out

if __name__ == "__main__":
    import jax
    _d = setup_inputs()
    print(jax.jit(kernel)(*tuple(_d.values())))

</pallas_src>

<mosaic_0001>
#map = affine_map<(d0, d1) -> (0, 0)>
#map1 = affine_map<(d0, d1) -> (0)>
#map2 = affine_map<(d0, d1) -> (0, 0, 0)>
module attributes {stable_mosaic.version = 14 : i64} {
  func.func @body(%arg0: i32, %arg1: i32, %arg2: memref<10240x64xf32, #tpu.memory_space<hbm>>, %arg3: memref<2560x128xi32, #tpu.memory_space<hbm>>, %arg4: memref<2560x128xi32, #tpu.memory_space<hbm>>, %arg5: memref<10240xf32, #tpu.memory_space<hbm>>, %arg6: memref<10240x64xf32, #tpu.memory_space<hbm>>, %arg7: memref<10240xf32, #tpu.memory_space<hbm>>, %arg8: memref<2x10240x64xf32, #tpu.memory_space<hbm>>, %arg9: memref<2x10240xf32, #tpu.memory_space<hbm>>, %arg10: memref<80x128xi32, #tpu.memory_space<vmem>>, %arg11: memref<80x128xi32, #tpu.memory_space<vmem>>, %arg12: memref<128x64xf32, #tpu.memory_space<vmem>>, %arg13: memref<128x64xf32, #tpu.memory_space<vmem>>, %arg14: memref<128x64xf32, #tpu.memory_space<vmem>>, %arg15: memref<128x64xf32, #tpu.memory_space<vmem>>, %arg16: memref<!tpu.dma_semaphore, #tpu.memory_space<semaphore_mem>>, %arg17: memref<!tpu.dma_semaphore, #tpu.memory_space<semaphore_mem>>, %arg18: memref<!tpu.dma_semaphore, #tpu.memory_space<semaphore_mem>>, %arg19: memref<!tpu.dma_semaphore, #tpu.memory_space<semaphore_mem>>, %arg20: memref<!tpu.dma_semaphore, #tpu.memory_space<semaphore_mem>>, %arg21: memref<!tpu.dma_semaphore, #tpu.memory_space<semaphore_mem>>, %arg22: memref<!tpu.dma_semaphore, #tpu.memory_space<semaphore_mem>>, %arg23: memref<!tpu.dma_semaphore, #tpu.memory_space<semaphore_mem>>, %arg24: memref<10240x64xf32, #tpu.memory_space<vmem_shared>>, %arg25: memref<128xf32, #tpu.memory_space<vmem>>, %arg26: memref<128xf32, #tpu.memory_space<vmem>>, %arg27: memref<128xf32, #tpu.memory_space<vmem>>, %arg28: memref<128xf32, #tpu.memory_space<vmem>>, %arg29: memref<!tpu.dma_semaphore, #tpu.memory_space<semaphore_mem>>, %arg30: memref<!tpu.dma_semaphore, #tpu.memory_space<semaphore_mem>>, %arg31: memref<!tpu.dma_semaphore, #tpu.memory_space<semaphore_mem>>, %arg32: memref<!tpu.dma_semaphore, #tpu.memory_space<semaphore_mem>>, %arg33: memref<!tpu.dma_semaphore, #tpu.memory_space<semaphore_mem>>, %arg34: memref<!tpu.dma_semaphore, #tpu.memory_space<semaphore_mem>>, %arg35: memref<!tpu.dma_semaphore, #tpu.memory_space<semaphore_mem>>, %arg36: memref<!tpu.dma_semaphore, #tpu.memory_space<semaphore_mem>>, %arg37: memref<10240xf32, #tpu.memory_space<vmem_shared>>) attributes {dimension_semantics = [#tpu.dimension_semantics<core_parallel>, #tpu.dimension_semantics<subcore_parallel>], iteration_bounds = array<i64: 2, 16>, scalar_prefetch = 0 : i64, scratch_operands = 28 : i64, tpu.core_type = #tpu.core_type<sc_vector_subcore>, window_params = [{transform_indices = #map}, {transform_indices = #map}, {transform_indices = #map}, {transform_indices = #map1}, {transform_indices = #map}, {transform_indices = #map1}, {transform_indices = #map2}, {transform_indices = #map}]} {
    %mul3A = arith.constant 16 : i32
    %mul3A_0 = arith.muli %arg0, %mul3A : i32
    %add3A = arith.addi %mul3A_0, %arg1 : i32
    %mul3A_1 = arith.constant 80 : i32
    %mul3A_2 = arith.muli %add3A, %mul3A_1 : i32
    %multiple_of3A = tpu.assume_multiple %mul3A_2, 8 : i32
    "tpu.region"() ({
      %run_scoped3A = tpu.sem_alloc : memref<!tpu.dma_semaphore, #tpu.memory_space<semaphore_mem>>
      %dma_start3A_71 = arith.constant 0 : i32
      %dma_start3A_72 = tpu.memref_slice %arg3[%multiple_of3A, %dma_start3A_71] : memref<2560x128xi32, #tpu.memory_space<hbm>> -> memref<80x128xi32, #tpu.memory_space<hbm>>
      %dma_start3A_73 = arith.constant 0 : i32
      %dma_start3A_74 = tpu.memref_slice %arg3[%multiple_of3A, %dma_start3A_73] : memref<2560x128xi32, #tpu.memory_space<hbm>> -> memref<80x128xi32, #tpu.memory_space<hbm>>
      tpu.enqueue_dma source(%dma_start3A_74 : memref<80x128xi32, #tpu.memory_space<hbm>>) target(%arg10 : memref<80x128xi32, #tpu.memory_space<vmem>>) target_semaphore(%run_scoped3A : memref<!tpu.dma_semaphore, #tpu.memory_space<semaphore_mem>>)
      %dma_wait3A_75 = arith.constant 0 : i32
      %dma_wait3A_76 = tpu.memref_slice %arg3[%multiple_of3A, %dma_wait3A_75] : memref<2560x128xi32, #tpu.memory_space<hbm>> -> memref<80x128xi32, #tpu.memory_space<hbm>>
      %dma_wait3A_77 = arith.constant 0 : i32
      %dma_wait3A_78 = tpu.memref_slice %arg3[%multiple_of3A, %dma_wait3A_77] : memref<2560x128xi32, #tpu.memory_space<hbm>> -> memref<80x128xi32, #tpu.memory_space<hbm>>
      tpu.wait_dma2 semaphore(%run_scoped3A : memref<!tpu.dma_semaphore, #tpu.memory_space<semaphore_mem>>) src(%dma_wait3A_78 : memref<80x128xi32, #tpu.memory_space<hbm>>) dst(%arg10 : memref<80x128xi32, #tpu.memory_space<vmem>>)
      tpu.yield
    }) : () -> ()
    "tpu.region"() ({
      %run_scoped3A = tpu.sem_alloc : memref<!tpu.dma_semaphore, #tpu.memory_space<semaphore_mem>>
      %dma_start3A_71 = arith.constant 0 : i32
      %dma_start3A_72 = tpu.memref_slice %arg4[%multiple_of3A, %dma_start3A_71] : memref<2560x128xi32, #tpu.memory_space<hbm>> -> memref<80x128xi32, #tpu.memory_space<hbm>>
      %dma_start3A_73 = arith.constant 0 : i32
      %dma_start3A_74 = tpu.memref_slice %arg4[%multiple_of3A, %dma_start3A_73] : memref<2560x128xi32, #tpu.memory_space<hbm>> -> memref<80x128xi32, #tpu.memory_space<hbm>>
      tpu.enqueue_dma source(%dma_start3A_74 : memref<80x128xi32, #tpu.memory_space<hbm>>) target(%arg11 : memref<80x128xi32, #tpu.memory_space<vmem>>) target_semaphore(%run_scoped3A : memref<!tpu.dma_semaphore, #tpu.memory_space<semaphore_mem>>)
      %dma_wait3A_75 = arith.constant 0 : i32
      %dma_wait3A_76 = tpu.memref_slice %arg4[%multiple_of3A, %dma_wait3A_75] : memref<2560x128xi32, #tpu.memory_space<hbm>> -> memref<80x128xi32, #tpu.memory_space<hbm>>
      %dma_wait3A_77 = arith.constant 0 : i32
      %dma_wait3A_78 = tpu.memref_slice %arg4[%multiple_of3A, %dma_wait3A_77] : memref<2560x128xi32, #tpu.memory_space<hbm>> -> memref<80x128xi32, #tpu.memory_space<hbm>>
      tpu.wait_dma2 semaphore(%run_scoped3A : memref<!tpu.dma_semaphore, #tpu.memory_space<semaphore_mem>>) src(%dma_wait3A_78 : memref<80x128xi32, #tpu.memory_space<hbm>>) dst(%arg11 : memref<80x128xi32, #tpu.memory_space<vmem>>)
      tpu.yield
    }) : () -> ()
    %dma_start3A = arith.constant 0 : i32
    %dma_start3A_3 = arith.constant 0 : i32
    %dma_start3A_4 = tpu.memref_slice %arg10[%dma_start3A, %dma_start3A_3] : memref<80x128xi32, #tpu.memory_space<vmem>> -> memref<1x128xi32, #tpu.memory_space<vmem>>
    %dma_start3A_5 = tpu.memref_squeeze %dma_start3A_4 : memref<1x128xi32, #tpu.memory_space<vmem>> -> memref<128xi32, #tpu.memory_space<vmem>>
    %dma_start3A_6 = arith.constant 0 : i32
    %dma_start3A_7 = arith.constant 0 : i32
    %dma_start3A_8 = tpu.memref_slice %arg2[%dma_start3A_6, %dma_start3A_7] : memref<10240x64xf32, #tpu.memory_space<hbm>> -> memref<10240x64xf32, #tpu.memory_space<hbm>>
    tpu.enqueue_indirect_dma source(%dma_start3A_8 : memref<10240x64xf32, #tpu.memory_space<hbm>>) target(%arg12 : memref<128x64xf32, #tpu.memory_space<vmem>>) offsets(%dma_start3A_5 : memref<128xi32, #tpu.memory_space<vmem>>) semaphore(%arg16 : memref<!tpu.dma_semaphore, #tpu.memory_space<semaphore_mem>>)
    %dma_start3A_9 = arith.constant 0 : i32
    %dma_start3A_10 = arith.constant 0 : i32
    %dma_start3A_11 = tpu.memref_slice %arg11[%dma_start3A_9, %dma_start3A_10] : memref<80x128xi32, #tpu.memory_space<vmem>> -> memref<1x128xi32, #tpu.memory_space<vmem>>
    %dma_start3A_12 = tpu.memref_squeeze %dma_start3A_11 : memref<1x128xi32, #tpu.memory_space<vmem>> -> memref<128xi32, #tpu.memory_space<vmem>>
    %dma_start3A_13 = arith.constant 0 : i32
    %dma_start3A_14 = tpu.memref_slice %arg5[%dma_start3A_13] : memref<10240xf32, #tpu.memory_space<hbm>> -> memref<10240xf32, #tpu.memory_space<hbm>>
    tpu.enqueue_indirect_dma source(%dma_start3A_14 : memref<10240xf32, #tpu.memory_space<hbm>>) target(%arg25 : memref<128xf32, #tpu.memory_space<vmem>>) offsets(%dma_start3A_12 : memref<128xi32, #tpu.memory_space<vmem>>) semaphore(%arg29 : memref<!tpu.dma_semaphore, #tpu.memory_space<semaphore_mem>>)
    %dma_start3A_15 = arith.constant 1 : i32
    %dma_start3A_16 = arith.constant 0 : i32
    %dma_start3A_17 = tpu.memref_slice %arg10[%dma_start3A_15, %dma_start3A_16] : memref<80x128xi32, #tpu.memory_space<vmem>> -> memref<1x128xi32, #tpu.memory_space<vmem>>
    %dma_start3A_18 = tpu.memref_squeeze %dma_start3A_17 : memref<1x128xi32, #tpu.memory_space<vmem>> -> memref<128xi32, #tpu.memory_space<vmem>>
    %dma_start3A_19 = arith.constant 0 : i32
    %dma_start3A_20 = arith.constant 0 : i32
    %dma_start3A_21 = tpu.memref_slice %arg2[%dma_start3A_19, %dma_start3A_20] : memref<10240x64xf32, #tpu.memory_space<hbm>> -> memref<10240x64xf32, #tpu.memory_space<hbm>>
    tpu.enqueue_indirect_dma source(%dma_start3A_21 : memref<10240x64xf32, #tpu.memory_space<hbm>>) target(%arg13 : memref<128x64xf32, #tpu.memory_space<vmem>>) offsets(%dma_start3A_18 : memref<128xi32, #tpu.memory_space<vmem>>) semaphore(%arg17 : memref<!tpu.dma_semaphore, #tpu.memory_space<semaphore_mem>>)
    %dma_start3A_22 = arith.constant 1 : i32
    %dma_start3A_23 = arith.constant 0 : i32
    %dma_start3A_24 = tpu.memref_slice %arg11[%dma_start3A_22, %dma_start3A_23] : memref<80x128xi32, #tpu.memory_space<vmem>> -> memref<1x128xi32, #tpu.memory_space<vmem>>
    %dma_start3A_25 = tpu.memref_squeeze %dma_start3A_24 : memref<1x128xi32, #tpu.memory_space<vmem>> -> memref<128xi32, #tpu.memory_space<vmem>>
    %dma_start3A_26 = arith.constant 0 : i32
    %dma_start3A_27 = tpu.memref_slice %arg5[%dma_start3A_26] : memref<10240xf32, #tpu.memory_space<hbm>> -> memref<10240xf32, #tpu.memory_space<hbm>>
    tpu.enqueue_indirect_dma source(%dma_start3A_27 : memref<10240xf32, #tpu.memory_space<hbm>>) target(%arg26 : memref<128xf32, #tpu.memory_space<vmem>>) offsets(%dma_start3A_25 : memref<128xi32, #tpu.memory_space<vmem>>) semaphore(%arg30 : memref<!tpu.dma_semaphore, #tpu.memory_space<semaphore_mem>>)
    %mul3A_28 = arith.constant 640 : i32
    %mul3A_29 = arith.muli %arg1, %mul3A_28 : i32
    %multiple_of3A_30 = tpu.assume_multiple %mul3A_29, 128 : i32
    "tpu.region"() ({
      %run_scoped3A = tpu.sem_alloc : memref<!tpu.dma_semaphore, #tpu.memory_space<semaphore_mem>>
      %dma_start3A_71 = arith.constant 0 : i32
      %dma_start3A_72 = tpu.memref_slice %arg24[%multiple_of3A_30, %dma_start3A_71] : memref<10240x64xf32, #tpu.memory_space<vmem_shared>> -> memref<640x64xf32, #tpu.memory_space<vmem_shared>>
      %dma_start3A_73 = arith.constant 0 : i32
      %dma_start3A_74 = tpu.memref_slice %arg6[%multiple_of3A_30, %dma_start3A_73] : memref<10240x64xf32, #tpu.memory_space<hbm>> -> memref<640x64xf32, #tpu.memory_space<hbm>>
      tpu.enqueue_dma source(%dma_start3A_74 : memref<640x64xf32, #tpu.memory_space<hbm>>) target(%dma_start3A_72 : memref<640x64xf32, #tpu.memory_space<vmem_shared>>) target_semaphore(%run_scoped3A : memref<!tpu.dma_semaphore, #tpu.memory_space<semaphore_mem>>)
      %dma_wait3A_75 = arith.constant 0 : i32
      %dma_wait3A_76 = tpu.memref_slice %arg24[%multiple_of3A_30, %dma_wait3A_75] : memref<10240x64xf32, #tpu.memory_space<vmem_shared>> -> memref<640x64xf32, #tpu.memory_space<vmem_shared>>
      %dma_wait3A_77 = arith.constant 0 : i32
      %dma_wait3A_78 = tpu.memref_slice %arg6[%multiple_of3A_30, %dma_wait3A_77] : memref<10240x64xf32, #tpu.memory_space<hbm>> -> memref<640x64xf32, #tpu.memory_space<hbm>>
      tpu.wait_dma2 semaphore(%run_scoped3A : memref<!tpu.dma_semaphore, #tpu.memory_space<semaphore_mem>>) src(%dma_wait3A_78 : memref<640x64xf32, #tpu.memory_space<hbm>>) dst(%dma_wait3A_76 : memref<640x64xf32, #tpu.memory_space<vmem_shared>>)
      tpu.yield
    }) : () -> ()
    %mul3A_31 = arith.constant 640 : i32
    %mul3A_32 = arith.muli %arg1, %mul3A_31 : i32
    %multiple_of3A_33 = tpu.assume_multiple %mul3A_32, 128 : i32
    "tpu.region"() ({
      %run_scoped3A = tpu.sem_alloc : memref<!tpu.dma_semaphore, #tpu.memory_space<semaphore_mem>>
      %dma_start3A_71 = tpu.memref_slice %arg37[%multiple_of3A_33] : memref<10240xf32, #tpu.memory_space<vmem_shared>> -> memref<640xf32, #tpu.memory_space<vmem_shared>>
      %dma_start3A_72 = tpu.memref_slice %arg7[%multiple_of3A_33] : memref<10240xf32, #tpu.memory_space<hbm>> -> memref<640xf32, #tpu.memory_space<hbm>>
      tpu.enqueue_dma source(%dma_start3A_72 : memref<640xf32, #tpu.memory_space<hbm>>) target(%dma_start3A_71 : memref<640xf32, #tpu.memory_space<vmem_shared>>) target_semaphore(%run_scoped3A : memref<!tpu.dma_semaphore, #tpu.memory_space<semaphore_mem>>)
      %dma_wait3A_73 = tpu.memref_slice %arg37[%multiple_of3A_33] : memref<10240xf32, #tpu.memory_space<vmem_shared>> -> memref<640xf32, #tpu.memory_space<vmem_shared>>
      %dma_wait3A_74 = tpu.memref_slice %arg7[%multiple_of3A_33] : memref<10240xf32, #tpu.memory_space<hbm>> -> memref<640xf32, #tpu.memory_space<hbm>>
      tpu.wait_dma2 semaphore(%run_scoped3A : memref<!tpu.dma_semaphore, #tpu.memory_space<semaphore_mem>>) src(%dma_wait3A_74 : memref<640xf32, #tpu.memory_space<hbm>>) dst(%dma_wait3A_73 : memref<640xf32, #tpu.memory_space<vmem_shared>>)
      tpu.yield
    }) : () -> ()
    %barrier3A = arith.constant 0 : index
    tpu.barrier barrier_id(%barrier3A)
    %scan3A = arith.constant 0 : i32
    %scan3A_34 = arith.constant 0 : i32
    %scan3A_35 = arith.constant 20 : i32
    %scan3A_36 = arith.addi %scan3A_34, %scan3A_35 : i32
    %scan3A_37 = arith.constant 1 : i32
    scf.for %scan3A_71 = %scan3A_34 to %scan3A_36 step %scan3A_37  : i32 {
      %mul3A_72 = arith.constant 4 : i32
      %mul3A_73 = arith.muli %mul3A_72, %scan3A_71 : i32
      %add3A_74 = arith.constant 0 : i32
      %add3A_75 = arith.addi %mul3A_73, %add3A_74 : i32
      %dma_wait3A_76 = arith.constant 0 : i32
      %dma_wait3A_77 = tpu.memref_slice %arg10[%add3A_75, %dma_wait3A_76] : memref<80x128xi32, #tpu.memory_space<vmem>> -> memref<1x128xi32, #tpu.memory_space<vmem>>
      %dma_wait3A_78 = tpu.memref_squeeze %dma_wait3A_77 : memref<1x128xi32, #tpu.memory_space<vmem>> -> memref<128xi32, #tpu.memory_space<vmem>>
      %dma_wait3A_79 = arith.constant 0 : i32
      %dma_wait3A_80 = arith.constant 0 : i32
      %dma_wait3A_81 = tpu.memref_slice %arg2[%dma_wait3A_79, %dma_wait3A_80] : memref<10240x64xf32, #tpu.memory_space<hbm>> -> memref<10240x64xf32, #tpu.memory_space<hbm>>
      tpu.wait_indirect_dma semaphore(%arg16 : memref<!tpu.dma_semaphore, #tpu.memory_space<semaphore_mem>>) src(%dma_wait3A_81 : memref<10240x64xf32, #tpu.memory_space<hbm>>) dst(%arg12 : memref<128x64xf32, #tpu.memory_space<vmem>>)
      %dma_wait3A_82 = arith.constant 0 : i32
      %dma_wait3A_83 = tpu.memref_slice %arg11[%add3A_75, %dma_wait3A_82] : memref<80x128xi32, #tpu.memory_space<vmem>> -> memref<1x128xi32, #tpu.memory_space<vmem>>
      %dma_wait3A_84 = tpu.memref_squeeze %dma_wait3A_83 : memref<1x128xi32, #tpu.memory_space<vmem>> -> memref<128xi32, #tpu.memory_space<vmem>>
      %dma_wait3A_85 = arith.constant 0 : i32
      %dma_wait3A_86 = tpu.memref_slice %arg5[%dma_wait3A_85] : memref<10240xf32, #tpu.memory_space<hbm>> -> memref<10240xf32, #tpu.memory_space<hbm>>
      tpu.wait_indirect_dma semaphore(%arg29 : memref<!tpu.dma_semaphore, #tpu.memory_space<semaphore_mem>>) src(%dma_wait3A_86 : memref<10240xf32, #tpu.memory_space<hbm>>) dst(%arg25 : memref<128xf32, #tpu.memory_space<vmem>>)
      %dma_start3A_87 = arith.constant 0 : i32
      %dma_start3A_88 = tpu.memref_slice %arg11[%add3A_75, %dma_start3A_87] : memref<80x128xi32, #tpu.memory_space<vmem>> -> memref<1x128xi32, #tpu.memory_space<vmem>>
      %dma_start3A_89 = tpu.memref_squeeze %dma_start3A_88 : memref<1x128xi32, #tpu.memory_space<vmem>> -> memref<128xi32, #tpu.memory_space<vmem>>
      %dma_start3A_90 = arith.constant 0 : i32
      %dma_start3A_91 = arith.constant 0 : i32
      %dma_start3A_92 = tpu.memref_slice %arg24[%dma_start3A_90, %dma_start3A_91] : memref<10240x64xf32, #tpu.memory_space<vmem_shared>> -> memref<10240x64xf32, #tpu.memory_space<vmem_shared>>
      tpu.enqueue_indirect_dma source(%arg12 : memref<128x64xf32, #tpu.memory_space<vmem>>) target(%dma_start3A_92 : memref<10240x64xf32, #tpu.memory_space<vmem_shared>>) offsets(%dma_start3A_89 : memref<128xi32, #tpu.memory_space<vmem>>) semaphore(%arg20 : memref<!tpu.dma_semaphore, #tpu.memory_space<semaphore_mem>>) {add = true}
      %dma_start3A_93 = arith.constant 0 : i32
      %dma_start3A_94 = tpu.memref_slice %arg10[%add3A_75, %dma_start3A_93] : memref<80x128xi32, #tpu.memory_space<vmem>> -> memref<1x128xi32, #tpu.memory_space<vmem>>
      %dma_start3A_95 = tpu.memref_squeeze %dma_start3A_94 : memref<1x128xi32, #tpu.memory_space<vmem>> -> memref<128xi32, #tpu.memory_space<vmem>>
      %dma_start3A_96 = arith.constant 0 : i32
      %dma_start3A_97 = tpu.memref_slice %arg37[%dma_start3A_96] : memref<10240xf32, #tpu.memory_space<vmem_shared>> -> memref<10240xf32, #tpu.memory_space<vmem_shared>>
      tpu.enqueue_indirect_dma source(%arg25 : memref<128xf32, #tpu.memory_space<vmem>>) target(%dma_start3A_97 : memref<10240xf32, #tpu.memory_space<vmem_shared>>) offsets(%dma_start3A_95 : memref<128xi32, #tpu.memory_space<vmem>>) semaphore(%arg33 : memref<!tpu.dma_semaphore, #tpu.memory_space<semaphore_mem>>) {add = true}
      %ge3A = arith.constant 2 : i32
      %ge3A_98 = arith.cmpi sge, %add3A_75, %ge3A : i32
      %convert_element_type3A = arith.extui %ge3A_98 : i1 to i32
      %cond3A = arith.constant 0 : i32
      %cond3A_99 = arith.cmpi ne, %convert_element_type3A, %cond3A : i32
      scf.if %cond3A_99 {
        %add3A_220 = arith.constant 2 : i32
        %add3A_221 = arith.addi %add3A_75, %add3A_220 : i32
        %sub3A = arith.constant 4 : i32
        %sub3A_222 = arith.subi %add3A_221, %sub3A : i32
        %dma_wait3A_223 = arith.constant 0 : i32
        %dma_wait3A_224 = tpu.memref_slice %arg11[%sub3A_222, %dma_wait3A_223] : memref<80x128xi32, #tpu.memory_space<vmem>> -> memref<1x128xi32, #tpu.memory_space<vmem>>
        %dma_wait3A_225 = tpu.memref_squeeze %dma_wait3A_224 : memref<1x128xi32, #tpu.memory_space<vmem>> -> memref<128xi32, #tpu.memory_space<vmem>>
        %dma_wait3A_226 = arith.constant 0 : i32
        %dma_wait3A_227 = arith.constant 0 : i32
        %dma_wait3A_228 = tpu.memref_slice %arg24[%dma_wait3A_226, %dma_wait3A_227] : memref<10240x64xf32, #tpu.memory_space<vmem_shared>> -> memref<10240x64xf32, #tpu.memory_space<vmem_shared>>
        tpu.wait_indirect_dma semaphore(%arg22 : memref<!tpu.dma_semaphore, #tpu.memory_space<semaphore_mem>>) src(%arg14 : memref<128x64xf32, #tpu.memory_space<vmem>>) dst(%dma_wait3A_228 : memref<10240x64xf32, #tpu.memory_space<vmem_shared>>)
        %dma_wait3A_229 = arith.constant 0 : i32
        %dma_wait3A_230 = tpu.memref_slice %arg10[%sub3A_222, %dma_wait3A_229] : memref<80x128xi32, #tpu.memory_space<vmem>> -> memref<1x128xi32, #tpu.memory_space<vmem>>
        %dma_wait3A_231 = tpu.memref_squeeze %dma_wait3A_230 : memref<1x128xi32, #tpu.memory_space<vmem>> -> memref<128xi32, #tpu.memory_space<vmem>>
        %dma_wait3A_232 = arith.constant 0 : i32
        %dma_wait3A_233 = tpu.memref_slice %arg37[%dma_wait3A_232] : memref<10240xf32, #tpu.memory_space<vmem_shared>> -> memref<10240xf32, #tpu.memory_space<vmem_shared>>
        tpu.wait_indirect_dma semaphore(%arg35 : memref<!tpu.dma_semaphore, #tpu.memory_space<semaphore_mem>>) src(%arg27 : memref<128xf32, #tpu.memory_space<vmem>>) dst(%dma_wait3A_233 : memref<10240xf32, #tpu.memory_space<vmem_shared>>)
      } else {
      }
      %add3A_100 = arith.constant 2 : i32
      %add3A_101 = arith.addi %add3A_75, %add3A_100 : i32
      %lt3A = arith.constant 80 : i32
      %lt3A_102 = arith.cmpi slt, %add3A_101, %lt3A : i32
      %convert_element_type3A_103 = arith.extui %lt3A_102 : i1 to i32
      %cond3A_104 = arith.constant 0 : i32
      %cond3A_105 = arith.cmpi ne, %convert_element_type3A_103, %cond3A_104 : i32
      scf.if %cond3A_105 {
        %add3A_220 = arith.constant 2 : i32
        %add3A_221 = arith.addi %add3A_75, %add3A_220 : i32
        %dma_start3A_222 = arith.constant 0 : i32
        %dma_start3A_223 = tpu.memref_slice %arg10[%add3A_221, %dma_start3A_222] : memref<80x128xi32, #tpu.memory_space<vmem>> -> memref<1x128xi32, #tpu.memory_space<vmem>>
        %dma_start3A_224 = tpu.memref_squeeze %dma_start3A_223 : memref<1x128xi32, #tpu.memory_space<vmem>> -> memref<128xi32, #tpu.memory_space<vmem>>
        %dma_start3A_225 = arith.constant 0 : i32
        %dma_start3A_226 = arith.constant 0 : i32
        %dma_start3A_227 = tpu.memref_slice %arg2[%dma_start3A_225, %dma_start3A_226] : memref<10240x64xf32, #tpu.memory_space<hbm>> -> memref<10240x64xf32, #tpu.memory_space<hbm>>
        tpu.enqueue_indirect_dma source(%dma_start3A_227 : memref<10240x64xf32, #tpu.memory_space<hbm>>) target(%arg14 : memref<128x64xf32, #tpu.memory_space<vmem>>) offsets(%dma_start3A_224 : memref<128xi32, #tpu.memory_space<vmem>>) semaphore(%arg18 : memref<!tpu.dma_semaphore, #tpu.memory_space<semaphore_mem>>)
        %dma_start3A_228 = arith.constant 0 : i32
        %dma_start3A_229 = tpu.memref_slice %arg11[%add3A_221, %dma_start3A_228] : memref<80x128xi32, #tpu.memory_space<vmem>> -> memref<1x128xi32, #tpu.memory_space<vmem>>
        %dma_start3A_230 = tpu.memref_squeeze %dma_start3A_229 : memref<1x128xi32, #tpu.memory_space<vmem>> -> memref<128xi32, #tpu.memory_space<vmem>>
        %dma_start3A_231 = arith.constant 0 : i32
        %dma_start3A_232 = tpu.memref_slice %arg5[%dma_start3A_231] : memref<10240xf32, #tpu.memory_space<hbm>> -> memref<10240xf32, #tpu.memory_space<hbm>>
        tpu.enqueue_indirect_dma source(%dma_start3A_232 : memref<10240xf32, #tpu.memory_space<hbm>>) target(%arg27 : memref<128xf32, #tpu.memory_space<vmem>>) offsets(%dma_start3A_230 : memref<128xi32, #tpu.memory_space<vmem>>) semaphore(%arg31 : memref<!tpu.dma_semaphore, #tpu.memory_space<semaphore_mem>>)
      } else {
      }
      %mul3A_106 = arith.constant 4 : i32
      %mul3A_107 = arith.muli %mul3A_106, %scan3A_71 : i32
      %add3A_108 = arith.constant 1 : i32
      %add3A_109 = arith.addi %mul3A_107, %add3A_108 : i32
      %dma_wait3A_110 = arith.constant 0 : i32
      %dma_wait3A_111 = tpu.memref_slice %arg10[%add3A_109, %dma_wait3A_110] : memref<80x128xi32, #tpu.memory_space<vmem>> -> memref<1x128xi32, #tpu.memory_space<vmem>>
      %dma_wait3A_112 = tpu.memref_squeeze %dma_wait3A_111 : memref<1x128xi32, #tpu.memory_space<vmem>> -> memref<128xi32, #tpu.memory_space<vmem>>
      %dma_wait3A_113 = arith.constant 0 : i32
      %dma_wait3A_114 = arith.constant 0 : i32
      %dma_wait3A_115 = tpu.memref_slice %arg2[%dma_wait3A_113, %dma_wait3A_114] : memref<10240x64xf32, #tpu.memory_space<hbm>> -> memref<10240x64xf32, #tpu.memory_space<hbm>>
      tpu.wait_indirect_dma semaphore(%arg17 : memref<!tpu.dma_semaphore, #tpu.memory_space<semaphore_mem>>) src(%dma_wait3A_115 : memref<10240x64xf32, #tpu.memory_space<hbm>>) dst(%arg13 : memref<128x64xf32, #tpu.memory_space<vmem>>)
      %dma_wait3A_116 = arith.constant 0 : i32
      %dma_wait3A_117 = tpu.memref_slice %arg11[%add3A_109, %dma_wait3A_116] : memref<80x128xi32, #tpu.memory_space<vmem>> -> memref<1x128xi32, #tpu.memory_space<vmem>>
      %dma_wait3A_118 = tpu.memref_squeeze %dma_wait3A_117 : memref<1x128xi32, #tpu.memory_space<vmem>> -> memref<128xi32, #tpu.memory_space<vmem>>
      %dma_wait3A_119 = arith.constant 0 : i32
      %dma_wait3A_120 = tpu.memref_slice %arg5[%dma_wait3A_119] : memref<10240xf32, #tpu.memory_space<hbm>> -> memref<10240xf32, #tpu.memory_space<hbm>>
      tpu.wait_indirect_dma semaphore(%arg30 : memref<!tpu.dma_semaphore, #tpu.memory_space<semaphore_mem>>) src(%dma_wait3A_120 : memref<10240xf32, #tpu.memory_space<hbm>>) dst(%arg26 : memref<128xf32, #tpu.memory_space<vmem>>)
      %dma_start3A_121 = arith.constant 0 : i32
      %dma_start3A_122 = tpu.memref_slice %arg11[%add3A_109, %dma_start3A_121] : memref<80x128xi32, #tpu.memory_space<vmem>> -> memref<1x128xi32, #tpu.memory_space<vmem>>
      %dma_start3A_123 = tpu.memref_squeeze %dma_start3A_122 : memref<1x128xi32, #tpu.memory_space<vmem>> -> memref<128xi32, #tpu.memory_space<vmem>>
      %dma_start3A_124 = arith.constant 0 : i32
      %dma_start3A_125 = arith.constant 0 : i32
      %dma_start3A_126 = tpu.memref_slice %arg24[%dma_start3A_124, %dma_start3A_125] : memref<10240x64xf32, #tpu.memory_space<vmem_shared>> -> memref<10240x64xf32, #tpu.memory_space<vmem_shared>>
      tpu.enqueue_indirect_dma source(%arg13 : memref<128x64xf32, #tpu.memory_space<vmem>>) target(%dma_start3A_126 : memref<10240x64xf32, #tpu.memory_space<vmem_shared>>) offsets(%dma_start3A_123 : memref<128xi32, #tpu.memory_space<vmem>>) semaphore(%arg21 : memref<!tpu.dma_semaphore, #tpu.memory_space<semaphore_mem>>) {add = true}
      %dma_start3A_127 = arith.constant 0 : i32
      %dma_start3A_128 = tpu.memref_slice %arg10[%add3A_109, %dma_start3A_127] : memref<80x128xi32, #tpu.memory_space<vmem>> -> memref<1x128xi32, #tpu.memory_space<vmem>>
      %dma_start3A_129 = tpu.memref_squeeze %dma_start3A_128 : memref<1x128xi32, #tpu.memory_space<vmem>> -> memref<128xi32, #tpu.memory_space<vmem>>
      %dma_start3A_130 = arith.constant 0 : i32
      %dma_start3A_131 = tpu.memref_slice %arg37[%dma_start3A_130] : memref<10240xf32, #tpu.memory_space<vmem_shared>> -> memref<10240xf32, #tpu.memory_space<vmem_shared>>
      tpu.enqueue_indirect_dma source(%arg26 : memref<128xf32, #tpu.memory_space<vmem>>) target(%dma_start3A_131 : memref<10240xf32, #tpu.memory_space<vmem_shared>>) offsets(%dma_start3A_129 : memref<128xi32, #tpu.memory_space<vmem>>) semaphore(%arg34 : memref<!tpu.dma_semaphore, #tpu.memory_space<semaphore_mem>>) {add = true}
      %ge3A_132 = arith.constant 2 : i32
      %ge3A_133 = arith.cmpi sge, %add3A_109, %ge3A_132 : i32
      %convert_element_type3A_134 = arith.extui %ge3A_133 : i1 to i32
      %cond3A_135 = arith.constant 0 : i32
      %cond3A_136 = arith.cmpi ne, %convert_element_type3A_134, %cond3A_135 : i32
      scf.if %cond3A_136 {
        %add3A_220 = arith.constant 2 : i32
        %add3A_221 = arith.addi %add3A_109, %add3A_220 : i32
        %sub3A = arith.constant 4 : i32
        %sub3A_222 = arith.subi %add3A_221, %sub3A : i32
        %dma_wait3A_223 = arith.constant 0 : i32
        %dma_wait3A_224 = tpu.memref_slice %arg11[%sub3A_222, %dma_wait3A_223] : memref<80x128xi32, #tpu.memory_space<vmem>> -> memref<1x128xi32, #tpu.memory_space<vmem>>
        %dma_wait3A_225 = tpu.memref_squeeze %dma_wait3A_224 : memref<1x128xi32, #tpu.memory_space<vmem>> -> memref<128xi32, #tpu.memory_space<vmem>>
        %dma_wait3A_226 = arith.constant 0 : i32
        %dma_wait3A_227 = arith.constant 0 : i32
        %dma_wait3A_228 = tpu.memref_slice %arg24[%dma_wait3A_226, %dma_wait3A_227] : memref<10240x64xf32, #tpu.memory_space<vmem_shared>> -> memref<10240x64xf32, #tpu.memory_space<vmem_shared>>
        tpu.wait_indirect_dma semaphore(%arg23 : memref<!tpu.dma_semaphore, #tpu.memory_space<semaphore_mem>>) src(%arg15 : memref<128x64xf32, #tpu.memory_space<vmem>>) dst(%dma_wait3A_228 : memref<10240x64xf32, #tpu.memory_space<vmem_shared>>)
        %dma_wait3A_229 = arith.constant 0 : i32
        %dma_wait3A_230 = tpu.memref_slice %arg10[%sub3A_222, %dma_wait3A_229] : memref<80x128xi32, #tpu.memory_space<vmem>> -> memref<1x128xi32, #tpu.memory_space<vmem>>
        %dma_wait3A_231 = tpu.memref_squeeze %dma_wait3A_230 : memref<1x128xi32, #tpu.memory_space<vmem>> -> memref<128xi32, #tpu.memory_space<vmem>>
        %dma_wait3A_232 = arith.constant 0 : i32
        %dma_wait3A_233 = tpu.memref_slice %arg37[%dma_wait3A_232] : memref<10240xf32, #tpu.memory_space<vmem_shared>> -> memref<10240xf32, #tpu.memory_space<vmem_shared>>
        tpu.wait_indirect_dma semaphore(%arg36 : memref<!tpu.dma_semaphore, #tpu.memory_space<semaphore_mem>>) src(%arg28 : memref<128xf32, #tpu.memory_space<vmem>>) dst(%dma_wait3A_233 : memref<10240xf32, #tpu.memory_space<vmem_shared>>)
      } else {
      }
      %add3A_137 = arith.constant 2 : i32
      %add3A_138 = arith.addi %add3A_109, %add3A_137 : i32
      %lt3A_139 = arith.constant 80 : i32
      %lt3A_140 = arith.cmpi slt, %add3A_138, %lt3A_139 : i32
      %convert_element_type3A_141 = arith.extui %lt3A_140 : i1 to i32
      %cond3A_142 = arith.constant 0 : i32
      %cond3A_143 = arith.cmpi ne, %convert_element_type3A_141, %cond3A_142 : i32
      scf.if %cond3A_143 {
        %add3A_220 = arith.constant 2 : i32
        %add3A_221 = arith.addi %add3A_109, %add3A_220 : i32
        %dma_start3A_222 = arith.constant 0 : i32
        %dma_start3A_223 = tpu.memref_slice %arg10[%add3A_221, %dma_start3A_222] : memref<80x128xi32, #tpu.memory_space<vmem>> -> memref<1x128xi32, #tpu.memory_space<vmem>>
        %dma_start3A_224 = tpu.memref_squeeze %dma_start3A_223 : memref<1x128xi32, #tpu.memory_space<vmem>> -> memref<128xi32, #tpu.memory_space<vmem>>
        %dma_start3A_225 = arith.constant 0 : i32
        %dma_start3A_226 = arith.constant 0 : i32
        %dma_start3A_227 = tpu.memref_slice %arg2[%dma_start3A_225, %dma_start3A_226] : memref<10240x64xf32, #tpu.memory_space<hbm>> -> memref<10240x64xf32, #tpu.memory_space<hbm>>
        tpu.enqueue_indirect_dma source(%dma_start3A_227 : memref<10240x64xf32, #tpu.memory_space<hbm>>) target(%arg15 : memref<128x64xf32, #tpu.memory_space<vmem>>) offsets(%dma_start3A_224 : memref<128xi32, #tpu.memory_space<vmem>>) semaphore(%arg19 : memref<!tpu.dma_semaphore, #tpu.memory_space<semaphore_mem>>)
        %dma_start3A_228 = arith.constant 0 : i32
        %dma_start3A_229 = tpu.memref_slice %arg11[%add3A_221, %dma_start3A_228] : memref<80x128xi32, #tpu.memory_space<vmem>> -> memref<1x128xi32, #tpu.memory_space<vmem>>
        %dma_start3A_230 = tpu.memref_squeeze %dma_start3A_229 : memref<1x128xi32, #tpu.memory_space<vmem>> -> memref<128xi32, #tpu.memory_space<vmem>>
        %dma_start3A_231 = arith.constant 0 : i32
        %dma_start3A_232 = tpu.memref_slice %arg5[%dma_start3A_231] : memref<10240xf32, #tpu.memory_space<hbm>> -> memref<10240xf32, #tpu.memory_space<hbm>>
        tpu.enqueue_indirect_dma source(%dma_start3A_232 : memref<10240xf32, #tpu.memory_space<hbm>>) target(%arg28 : memref<128xf32, #tpu.memory_space<vmem>>) offsets(%dma_start3A_230 : memref<128xi32, #tpu.memory_space<vmem>>) semaphore(%arg32 : memref<!tpu.dma_semaphore, #tpu.memory_space<semaphore_mem>>)
      } else {
      }
      %mul3A_144 = arith.constant 4 : i32
      %mul3A_145 = arith.muli %mul3A_144, %scan3A_71 : i32
      %add3A_146 = arith.constant 2 : i32
      %add3A_147 = arith.addi %mul3A_145, %add3A_146 : i32
      %dma_wait3A_148 = arith.constant 0 : i32
      %dma_wait3A_149 = tpu.memref_slice %arg10[%add3A_147, %dma_wait3A_148] : memref<80x128xi32, #tpu.memory_space<vmem>> -> memref<1x128xi32, #tpu.memory_space<vmem>>
      %dma_wait3A_150 = tpu.memref_squeeze %dma_wait3A_149 : memref<1x128xi32, #tpu.memory_space<vmem>> -> memref<128xi32, #tpu.memory_space<vmem>>
      %dma_wait3A_151 = arith.constant 0 : i32
      %dma_wait3A_152 = arith.constant 0 : i32
      %dma_wait3A_153 = tpu.memref_slice %arg2[%dma_wait3A_151, %dma_wait3A_152] : memref<10240x64xf32, #tpu.memory_space<hbm>> -> memref<10240x64xf32, #tpu.memory_space<hbm>>
      tpu.wait_indirect_dma semaphore(%arg18 : memref<!tpu.dma_semaphore, #tpu.memory_space<semaphore_mem>>) src(%dma_wait3A_153 : memref<10240x64xf32, #tpu.memory_space<hbm>>) dst(%arg14 : memref<128x64xf32, #tpu.memory_space<vmem>>)
      %dma_wait3A_154 = arith.constant 0 : i32
      %dma_wait3A_155 = tpu.memref_slice %arg11[%add3A_147, %dma_wait3A_154] : memref<80x128xi32, #tpu.memory_space<vmem>> -> memref<1x128xi32, #tpu.memory_space<vmem>>
      %dma_wait3A_156 = tpu.memref_squeeze %dma_wait3A_155 : memref<1x128xi32, #tpu.memory_space<vmem>> -> memref<128xi32, #tpu.memory_space<vmem>>
      %dma_wait3A_157 = arith.constant 0 : i32
      %dma_wait3A_158 = tpu.memref_slice %arg5[%dma_wait3A_157] : memref<10240xf32, #tpu.memory_space<hbm>> -> memref<10240xf32, #tpu.memory_space<hbm>>
      tpu.wait_indirect_dma semaphore(%arg31 : memref<!tpu.dma_semaphore, #tpu.memory_space<semaphore_mem>>) src(%dma_wait3A_158 : memref<10240xf32, #tpu.memory_space<hbm>>) dst(%arg27 : memref<128xf32, #tpu.memory_space<vmem>>)
      %dma_start3A_159 = arith.constant 0 : i32
      %dma_start3A_160 = tpu.memref_slice %arg11[%add3A_147, %dma_start3A_159] : memref<80x128xi32, #tpu.memory_space<vmem>> -> memref<1x128xi32, #tpu.memory_space<vmem>>
      %dma_start3A_161 = tpu.memref_squeeze %dma_start3A_160 : memref<1x128xi32, #tpu.memory_space<vmem>> -> memref<128xi32, #tpu.memory_space<vmem>>
      %dma_start3A_162 = arith.constant 0 : i32
      %dma_start3A_163 = arith.constant 0 : i32
      %dma_start3A_164 = tpu.memref_slice %arg24[%dma_start3A_162, %dma_start3A_163] : memref<10240x64xf32, #tpu.memory_space<vmem_shared>> -> memref<10240x64xf32, #tpu.memory_space<vmem_shared>>
      tpu.enqueue_indirect_dma source(%arg14 : memref<128x64xf32, #tpu.memory_space<vmem>>) target(%dma_start3A_164 : memref<10240x64xf32, #tpu.memory_space<vmem_shared>>) offsets(%dma_start3A_161 : memref<128xi32, #tpu.memory_space<vmem>>) semaphore(%arg22 : memref<!tpu.dma_semaphore, #tpu.memory_space<semaphore_mem>>) {add = true}
      %dma_start3A_165 = arith.constant 0 : i32
      %dma_start3A_166 = tpu.memref_slice %arg10[%add3A_147, %dma_start3A_165] : memref<80x128xi32, #tpu.memory_space<vmem>> -> memref<1x128xi32, #tpu.memory_space<vmem>>
      %dma_start3A_167 = tpu.memref_squeeze %dma_start3A_166 : memref<1x128xi32, #tpu.memory_space<vmem>> -> memref<128xi32, #tpu.memory_space<vmem>>
      %dma_start3A_168 = arith.constant 0 : i32
      %dma_start3A_169 = tpu.memref_slice %arg37[%dma_start3A_168] : memref<10240xf32, #tpu.memory_space<vmem_shared>> -> memref<10240xf32, #tpu.memory_space<vmem_shared>>
      tpu.enqueue_indirect_dma source(%arg27 : memref<128xf32, #tpu.memory_space<vmem>>) target(%dma_start3A_169 : memref<10240xf32, #tpu.memory_space<vmem_shared>>) offsets(%dma_start3A_167 : memref<128xi32, #tpu.memory_space<vmem>>) semaphore(%arg35 : memref<!tpu.dma_semaphore, #tpu.memory_space<semaphore_mem>>) {add = true}
      %ge3A_170 = arith.constant 2 : i32
      %ge3A_171 = arith.cmpi sge, %add3A_147, %ge3A_170 : i32
      %convert_element_type3A_172 = arith.extui %ge3A_171 : i1 to i32
      %cond3A_173 = arith.constant 0 : i32
      %cond3A_174 = arith.cmpi ne, %convert_element_type3A_172, %cond3A_173 : i32
      scf.if %cond3A_174 {
        %add3A_220 = arith.constant 2 : i32
        %add3A_221 = arith.addi %add3A_147, %add3A_220 : i32
        %sub3A = arith.constant 4 : i32
        %sub3A_222 = arith.subi %add3A_221, %sub3A : i32
        %dma_wait3A_223 = arith.constant 0 : i32
        %dma_wait3A_224 = tpu.memref_slice %arg11[%sub3A_222, %dma_wait3A_223] : memref<80x128xi32, #tpu.memory_space<vmem>> -> memref<1x128xi32, #tpu.memory_space<vmem>>
        %dma_wait3A_225 = tpu.memref_squeeze %dma_wait3A_224 : memref<1x128xi32, #tpu.memory_space<vmem>> -> memref<128xi32, #tpu.memory_space<vmem>>
        %dma_wait3A_226 = arith.constant 0 : i32
        %dma_wait3A_227 = arith.constant 0 : i32
        %dma_wait3A_228 = tpu.memref_slice %arg24[%dma_wait3A_226, %dma_wait3A_227] : memref<10240x64xf32, #tpu.memory_space<vmem_shared>> -> memref<10240x64xf32, #tpu.memory_space<vmem_shared>>
        tpu.wait_indirect_dma semaphore(%arg20 : memref<!tpu.dma_semaphore, #tpu.memory_space<semaphore_mem>>) src(%arg12 : memref<128x64xf32, #tpu.memory_space<vmem>>) dst(%dma_wait3A_228 : memref<10240x64xf32, #tpu.memory_space<vmem_shared>>)
        %dma_wait3A_229 = arith.constant 0 : i32
        %dma_wait3A_230 = tpu.memref_slice %arg10[%sub3A_222, %dma_wait3A_229] : memref<80x128xi32, #tpu.memory_space<vmem>> -> memref<1x128xi32, #tpu.memory_space<vmem>>
        %dma_wait3A_231 = tpu.memref_squeeze %dma_wait3A_230 : memref<1x128xi32, #tpu.memory_space<vmem>> -> memref<128xi32, #tpu.memory_space<vmem>>
        %dma_wait3A_232 = arith.constant 0 : i32
        %dma_wait3A_233 = tpu.memref_slice %arg37[%dma_wait3A_232] : memref<10240xf32, #tpu.memory_space<vmem_shared>> -> memref<10240xf32, #tpu.memory_space<vmem_shared>>
        tpu.wait_indirect_dma semaphore(%arg33 : memref<!tpu.dma_semaphore, #tpu.memory_space<semaphore_mem>>) src(%arg25 : memref<128xf32, #tpu.memory_space<vmem>>) dst(%dma_wait3A_233 : memref<10240xf32, #tpu.memory_space<vmem_shared>>)
      } else {
      }
      %add3A_175 = arith.constant 2 : i32
      %add3A_176 = arith.addi %add3A_147, %add3A_175 : i32
      %lt3A_177 = arith.constant 80 : i32
      %lt3A_178 = arith.cmpi slt, %add3A_176, %lt3A_177 : i32
      %convert_element_type3A_179 = arith.extui %lt3A_178 : i1 to i32
      %cond3A_180 = arith.constant 0 : i32
      %cond3A_181 = arith.cmpi ne, %convert_element_type3A_179, %cond3A_180 : i32
      scf.if %cond3A_181 {
        %add3A_220 = arith.constant 2 : i32
        %add3A_221 = arith.addi %add3A_147, %add3A_220 : i32
        %dma_start3A_222 = arith.constant 0 : i32
        %dma_start3A_223 = tpu.memref_slice %arg10[%add3A_221, %dma_start3A_222] : memref<80x128xi32, #tpu.memory_space<vmem>> -> memref<1x128xi32, #tpu.memory_space<vmem>>
        %dma_start3A_224 = tpu.memref_squeeze %dma_start3A_223 : memref<1x128xi32, #tpu.memory_space<vmem>> -> memref<128xi32, #tpu.memory_space<vmem>>
        %dma_start3A_225 = arith.constant 0 : i32
        %dma_start3A_226 = arith.constant 0 : i32
        %dma_start3A_227 = tpu.memref_slice %arg2[%dma_start3A_225, %dma_start3A_226] : memref<10240x64xf32, #tpu.memory_space<hbm>> -> memref<10240x64xf32, #tpu.memory_space<hbm>>
        tpu.enqueue_indirect_dma source(%dma_start3A_227 : memref<10240x64xf32, #tpu.memory_space<hbm>>) target(%arg12 : memref<128x64xf32, #tpu.memory_space<vmem>>) offsets(%dma_start3A_224 : memref<128xi32, #tpu.memory_space<vmem>>) semaphore(%arg16 : memref<!tpu.dma_semaphore, #tpu.memory_space<semaphore_mem>>)
        %dma_start3A_228 = arith.constant 0 : i32
        %dma_start3A_229 = tpu.memref_slice %arg11[%add3A_221, %dma_start3A_228] : memref<80x128xi32, #tpu.memory_space<vmem>> -> memref<1x128xi32, #tpu.memory_space<vmem>>
        %dma_start3A_230 = tpu.memref_squeeze %dma_start3A_229 : memref<1x128xi32, #tpu.memory_space<vmem>> -> memref<128xi32, #tpu.memory_space<vmem>>
        %dma_start3A_231 = arith.constant 0 : i32
        %dma_start3A_232 = tpu.memref_slice %arg5[%dma_start3A_231] : memref<10240xf32, #tpu.memory_space<hbm>> -> memref<10240xf32, #tpu.memory_space<hbm>>
        tpu.enqueue_indirect_dma source(%dma_start3A_232 : memref<10240xf32, #tpu.memory_space<hbm>>) target(%arg25 : memref<128xf32, #tpu.memory_space<vmem>>) offsets(%dma_start3A_230 : memref<128xi32, #tpu.memory_space<vmem>>) semaphore(%arg29 : memref<!tpu.dma_semaphore, #tpu.memory_space<semaphore_mem>>)
      } else {
      }
      %mul3A_182 = arith.constant 4 : i32
      %mul3A_183 = arith.muli %mul3A_182, %scan3A_71 : i32
      %add3A_184 = arith.constant 3 : i32
      %add3A_185 = arith.addi %mul3A_183, %add3A_184 : i32
      %dma_wait3A_186 = arith.constant 0 : i32
      %dma_wait3A_187 = tpu.memref_slice %arg10[%add3A_185, %dma_wait3A_186] : memref<80x128xi32, #tpu.memory_space<vmem>> -> memref<1x128xi32, #tpu.memory_space<vmem>>
      %dma_wait3A_188 = tpu.memref_squeeze %dma_wait3A_187 : memref<1x128xi32, #tpu.memory_space<vmem>> -> memref<128xi32, #tpu.memory_space<vmem>>
      %dma_wait3A_189 = arith.constant 0 : i32
      %dma_wait3A_190 = arith.constant 0 : i32
      %dma_wait3A_191 = tpu.memref_slice %arg2[%dma_wait3A_189, %dma_wait3A_190] : memref<10240x64xf32, #tpu.memory_space<hbm>> -> memref<10240x64xf32, #tpu.memory_space<hbm>>
      tpu.wait_indirect_dma semaphore(%arg19 : memref<!tpu.dma_semaphore, #tpu.memory_space<semaphore_mem>>) src(%dma_wait3A_191 : memref<10240x64xf32, #tpu.memory_space<hbm>>) dst(%arg15 : memref<128x64xf32, #tpu.memory_space<vmem>>)
      %dma_wait3A_192 = arith.constant 0 : i32
      %dma_wait3A_193 = tpu.memref_slice %arg11[%add3A_185, %dma_wait3A_192] : memref<80x128xi32, #tpu.memory_space<vmem>> -> memref<1x128xi32, #tpu.memory_space<vmem>>
      %dma_wait3A_194 = tpu.memref_squeeze %dma_wait3A_193 : memref<1x128xi32, #tpu.memory_space<vmem>> -> memref<128xi32, #tpu.memory_space<vmem>>
      %dma_wait3A_195 = arith.constant 0 : i32
      %dma_wait3A_196 = tpu.memref_slice %arg5[%dma_wait3A_195] : memref<10240xf32, #tpu.memory_space<hbm>> -> memref<10240xf32, #tpu.memory_space<hbm>>
      tpu.wait_indirect_dma semaphore(%arg32 : memref<!tpu.dma_semaphore, #tpu.memory_space<semaphore_mem>>) src(%dma_wait3A_196 : memref<10240xf32, #tpu.memory_space<hbm>>) dst(%arg28 : memref<128xf32, #tpu.memory_space<vmem>>)
      %dma_start3A_197 = arith.constant 0 : i32
      %dma_start3A_198 = tpu.memref_slice %arg11[%add3A_185, %dma_start3A_197] : memref<80x128xi32, #tpu.memory_space<vmem>> -> memref<1x128xi32, #tpu.memory_space<vmem>>
      %dma_start3A_199 = tpu.memref_squeeze %dma_start3A_198 : memref<1x128xi32, #tpu.memory_space<vmem>> -> memref<128xi32, #tpu.memory_space<vmem>>
      %dma_start3A_200 = arith.constant 0 : i32
      %dma_start3A_201 = arith.constant 0 : i32
      %dma_start3A_202 = tpu.memref_slice %arg24[%dma_start3A_200, %dma_start3A_201] : memref<10240x64xf32, #tpu.memory_space<vmem_shared>> -> memref<10240x64xf32, #tpu.memory_space<vmem_shared>>
      tpu.enqueue_indirect_dma source(%arg15 : memref<128x64xf32, #tpu.memory_space<vmem>>) target(%dma_start3A_202 : memref<10240x64xf32, #tpu.memory_space<vmem_shared>>) offsets(%dma_start3A_199 : memref<128xi32, #tpu.memory_space<vmem>>) semaphore(%arg23 : memref<!tpu.dma_semaphore, #tpu.memory_space<semaphore_mem>>) {add = true}
      %dma_start3A_203 = arith.constant 0 : i32
      %dma_start3A_204 = tpu.memref_slice %arg10[%add3A_185, %dma_start3A_203] : memref<80x128xi32, #tpu.memory_space<vmem>> -> memref<1x128xi32, #tpu.memory_space<vmem>>
      %dma_start3A_205 = tpu.memref_squeeze %dma_start3A_204 : memref<1x128xi32, #tpu.memory_space<vmem>> -> memref<128xi32, #tpu.memory_space<vmem>>
      %dma_start3A_206 = arith.constant 0 : i32
      %dma_start3A_207 = tpu.memref_slice %arg37[%dma_start3A_206] : memref<10240xf32, #tpu.memory_space<vmem_shared>> -> memref<10240xf32, #tpu.memory_space<vmem_shared>>
      tpu.enqueue_indirect_dma source(%arg28 : memref<128xf32, #tpu.memory_space<vmem>>) target(%dma_start3A_207 : memref<10240xf32, #tpu.memory_space<vmem_shared>>) offsets(%dma_start3A_205 : memref<128xi32, #tpu.memory_space<vmem>>) semaphore(%arg36 : memref<!tpu.dma_semaphore, #tpu.memory_space<semaphore_mem>>) {add = true}
      %ge3A_208 = arith.constant 2 : i32
      %ge3A_209 = arith.cmpi sge, %add3A_185, %ge3A_208 : i32
      %convert_element_type3A_210 = arith.extui %ge3A_209 : i1 to i32
      %cond3A_211 = arith.constant 0 : i32
      %cond3A_212 = arith.cmpi ne, %convert_element_type3A_210, %cond3A_211 : i32
      scf.if %cond3A_212 {
        %add3A_220 = arith.constant 2 : i32
        %add3A_221 = arith.addi %add3A_185, %add3A_220 : i32
        %sub3A = arith.constant 4 : i32
        %sub3A_222 = arith.subi %add3A_221, %sub3A : i32
        %dma_wait3A_223 = arith.constant 0 : i32
        %dma_wait3A_224 = tpu.memref_slice %arg11[%sub3A_222, %dma_wait3A_223] : memref<80x128xi32, #tpu.memory_space<vmem>> -> memref<1x128xi32, #tpu.memory_space<vmem>>
        %dma_wait3A_225 = tpu.memref_squeeze %dma_wait3A_224 : memref<1x128xi32, #tpu.memory_space<vmem>> -> memref<128xi32, #tpu.memory_space<vmem>>
        %dma_wait3A_226 = arith.constant 0 : i32
        %dma_wait3A_227 = arith.constant 0 : i32
        %dma_wait3A_228 = tpu.memref_slice %arg24[%dma_wait3A_226, %dma_wait3A_227] : memref<10240x64xf32, #tpu.memory_space<vmem_shared>> -> memref<10240x64xf32, #tpu.memory_space<vmem_shared>>
        tpu.wait_indirect_dma semaphore(%arg21 : memref<!tpu.dma_semaphore, #tpu.memory_space<semaphore_mem>>) src(%arg13 : memref<128x64xf32, #tpu.memory_space<vmem>>) dst(%dma_wait3A_228 : memref<10240x64xf32, #tpu.memory_space<vmem_shared>>)
        %dma_wait3A_229 = arith.constant 0 : i32
        %dma_wait3A_230 = tpu.memref_slice %arg10[%sub3A_222, %dma_wait3A_229] : memref<80x128xi32, #tpu.memory_space<vmem>> -> memref<1x128xi32, #tpu.memory_space<vmem>>
        %dma_wait3A_231 = tpu.memref_squeeze %dma_wait3A_230 : memref<1x128xi32, #tpu.memory_space<vmem>> -> memref<128xi32, #tpu.memory_space<vmem>>
        %dma_wait3A_232 = arith.constant 0 : i32
        %dma_wait3A_233 = tpu.memref_slice %arg37[%dma_wait3A_232] : memref<10240xf32, #tpu.memory_space<vmem_shared>> -> memref<10240xf32, #tpu.memory_space<vmem_shared>>
        tpu.wait_indirect_dma semaphore(%arg34 : memref<!tpu.dma_semaphore, #tpu.memory_space<semaphore_mem>>) src(%arg26 : memref<128xf32, #tpu.memory_space<vmem>>) dst(%dma_wait3A_233 : memref<10240xf32, #tpu.memory_space<vmem_shared>>)
      } else {
      }
      %add3A_213 = arith.constant 2 : i32
      %add3A_214 = arith.addi %add3A_185, %add3A_213 : i32
      %lt3A_215 = arith.constant 80 : i32
      %lt3A_216 = arith.cmpi slt, %add3A_214, %lt3A_215 : i32
      %convert_element_type3A_217 = arith.extui %lt3A_216 : i1 to i32
      %cond3A_218 = arith.constant 0 : i32
      %cond3A_219 = arith.cmpi ne, %convert_element_type3A_217, %cond3A_218 : i32
      scf.if %cond3A_219 {
        %add3A_220 = arith.constant 2 : i32
        %add3A_221 = arith.addi %add3A_185, %add3A_220 : i32
        %dma_start3A_222 = arith.constant 0 : i32
        %dma_start3A_223 = tpu.memref_slice %arg10[%add3A_221, %dma_start3A_222] : memref<80x128xi32, #tpu.memory_space<vmem>> -> memref<1x128xi32, #tpu.memory_space<vmem>>
        %dma_start3A_224 = tpu.memref_squeeze %dma_start3A_223 : memref<1x128xi32, #tpu.memory_space<vmem>> -> memref<128xi32, #tpu.memory_space<vmem>>
        %dma_start3A_225 = arith.constant 0 : i32
        %dma_start3A_226 = arith.constant 0 : i32
        %dma_start3A_227 = tpu.memref_slice %arg2[%dma_start3A_225, %dma_start3A_226] : memref<10240x64xf32, #tpu.memory_space<hbm>> -> memref<10240x64xf32, #tpu.memory_space<hbm>>
        tpu.enqueue_indirect_dma source(%dma_start3A_227 : memref<10240x64xf32, #tpu.memory_space<hbm>>) target(%arg13 : memref<128x64xf32, #tpu.memory_space<vmem>>) offsets(%dma_start3A_224 : memref<128xi32, #tpu.memory_space<vmem>>) semaphore(%arg17 : memref<!tpu.dma_semaphore, #tpu.memory_space<semaphore_mem>>)
        %dma_start3A_228 = arith.constant 0 : i32
        %dma_start3A_229 = tpu.memref_slice %arg11[%add3A_221, %dma_start3A_228] : memref<80x128xi32, #tpu.memory_space<vmem>> -> memref<1x128xi32, #tpu.memory_space<vmem>>
        %dma_start3A_230 = tpu.memref_squeeze %dma_start3A_229 : memref<1x128xi32, #tpu.memory_space<vmem>> -> memref<128xi32, #tpu.memory_space<vmem>>
        %dma_start3A_231 = arith.constant 0 : i32
        %dma_start3A_232 = tpu.memref_slice %arg5[%dma_start3A_231] : memref<10240xf32, #tpu.memory_space<hbm>> -> memref<10240xf32, #tpu.memory_space<hbm>>
        tpu.enqueue_indirect_dma source(%dma_start3A_232 : memref<10240xf32, #tpu.memory_space<hbm>>) target(%arg26 : memref<128xf32, #tpu.memory_space<vmem>>) offsets(%dma_start3A_230 : memref<128xi32, #tpu.memory_space<vmem>>) semaphore(%arg30 : memref<!tpu.dma_semaphore, #tpu.memory_space<semaphore_mem>>)
      } else {
      }
    }
    %scan3A_38 = arith.constant 20 : i32
    %dma_wait3A = arith.constant 78 : i32
    %dma_wait3A_39 = arith.constant 0 : i32
    %dma_wait3A_40 = tpu.memref_slice %arg11[%dma_wait3A, %dma_wait3A_39] : memref<80x128xi32, #tpu.memory_space<vmem>> -> memref<1x128xi32, #tpu.memory_space<vmem>>
    %dma_wait3A_41 = tpu.memref_squeeze %dma_wait3A_40 : memref<1x128xi32, #tpu.memory_space<vmem>> -> memref<128xi32, #tpu.memory_space<vmem>>
    %dma_wait3A_42 = arith.constant 0 : i32
    %dma_wait3A_43 = arith.constant 0 : i32
    %dma_wait3A_44 = tpu.memref_slice %arg24[%dma_wait3A_42, %dma_wait3A_43] : memref<10240x64xf32, #tpu.memory_space<vmem_shared>> -> memref<10240x64xf32, #tpu.memory_space<vmem_shared>>
    tpu.wait_indirect_dma semaphore(%arg22 : memref<!tpu.dma_semaphore, #tpu.memory_space<semaphore_mem>>) src(%arg14 : memref<128x64xf32, #tpu.memory_space<vmem>>) dst(%dma_wait3A_44 : memref<10240x64xf32, #tpu.memory_space<vmem_shared>>)
    %dma_wait3A_45 = arith.constant 78 : i32
    %dma_wait3A_46 = arith.constant 0 : i32
    %dma_wait3A_47 = tpu.memref_slice %arg10[%dma_wait3A_45, %dma_wait3A_46] : memref<80x128xi32, #tpu.memory_space<vmem>> -> memref<1x128xi32, #tpu.memory_space<vmem>>
    %dma_wait3A_48 = tpu.memref_squeeze %dma_wait3A_47 : memref<1x128xi32, #tpu.memory_space<vmem>> -> memref<128xi32, #tpu.memory_space<vmem>>
    %dma_wait3A_49 = arith.constant 0 : i32
    %dma_wait3A_50 = tpu.memref_slice %arg37[%dma_wait3A_49] : memref<10240xf32, #tpu.memory_space<vmem_shared>> -> memref<10240xf32, #tpu.memory_space<vmem_shared>>
    tpu.wait_indirect_dma semaphore(%arg35 : memref<!tpu.dma_semaphore, #tpu.memory_space<semaphore_mem>>) src(%arg27 : memref<128xf32, #tpu.memory_space<vmem>>) dst(%dma_wait3A_50 : memref<10240xf32, #tpu.memory_space<vmem_shared>>)
    %dma_wait3A_51 = arith.constant 79 : i32
    %dma_wait3A_52 = arith.constant 0 : i32
    %dma_wait3A_53 = tpu.memref_slice %arg11[%dma_wait3A_51, %dma_wait3A_52] : memref<80x128xi32, #tpu.memory_space<vmem>> -> memref<1x128xi32, #tpu.memory_space<vmem>>
    %dma_wait3A_54 = tpu.memref_squeeze %dma_wait3A_53 : memref<1x128xi32, #tpu.memory_space<vmem>> -> memref<128xi32, #tpu.memory_space<vmem>>
    %dma_wait3A_55 = arith.constant 0 : i32
    %dma_wait3A_56 = arith.constant 0 : i32
    %dma_wait3A_57 = tpu.memref_slice %arg24[%dma_wait3A_55, %dma_wait3A_56] : memref<10240x64xf32, #tpu.memory_space<vmem_shared>> -> memref<10240x64xf32, #tpu.memory_space<vmem_shared>>
    tpu.wait_indirect_dma semaphore(%arg23 : memref<!tpu.dma_semaphore, #tpu.memory_space<semaphore_mem>>) src(%arg15 : memref<128x64xf32, #tpu.memory_space<vmem>>) dst(%dma_wait3A_57 : memref<10240x64xf32, #tpu.memory_space<vmem_shared>>)
    %dma_wait3A_58 = arith.constant 79 : i32
    %dma_wait3A_59 = arith.constant 0 : i32
    %dma_wait3A_60 = tpu.memref_slice %arg10[%dma_wait3A_58, %dma_wait3A_59] : memref<80x128xi32, #tpu.memory_space<vmem>> -> memref<1x128xi32, #tpu.memory_space<vmem>>
    %dma_wait3A_61 = tpu.memref_squeeze %dma_wait3A_60 : memref<1x128xi32, #tpu.memory_space<vmem>> -> memref<128xi32, #tpu.memory_space<vmem>>
    %dma_wait3A_62 = arith.constant 0 : i32
    %dma_wait3A_63 = tpu.memref_slice %arg37[%dma_wait3A_62] : memref<10240xf32, #tpu.memory_space<vmem_shared>> -> memref<10240xf32, #tpu.memory_space<vmem_shared>>
    tpu.wait_indirect_dma semaphore(%arg36 : memref<!tpu.dma_semaphore, #tpu.memory_space<semaphore_mem>>) src(%arg28 : memref<128xf32, #tpu.memory_space<vmem>>) dst(%dma_wait3A_63 : memref<10240xf32, #tpu.memory_space<vmem_shared>>)
    %barrier3A_64 = arith.constant 0 : index
    tpu.barrier barrier_id(%barrier3A_64)
    %mul3A_65 = arith.constant 640 : i32
    %mul3A_66 = arith.muli %arg1, %mul3A_65 : i32
    %multiple_of3A_67 = tpu.assume_multiple %mul3A_66, 128 : i32
    "tpu.region"() ({
      %run_scoped3A = tpu.sem_alloc : memref<!tpu.dma_semaphore, #tpu.memory_space<semaphore_mem>>
      %dma_start3A_71 = arith.constant 0 : i32
      %dma_start3A_72 = tpu.memref_slice %arg8[%arg0, %multiple_of3A_67, %dma_start3A_71] : memref<2x10240x64xf32, #tpu.memory_space<hbm>> -> memref<1x640x64xf32, #tpu.memory_space<hbm>>
      %dma_start3A_73 = tpu.memref_squeeze %dma_start3A_72 : memref<1x640x64xf32, #tpu.memory_space<hbm>> -> memref<640x64xf32, #tpu.memory_space<hbm>>
      %dma_start3A_74 = arith.constant 0 : i32
      %dma_start3A_75 = tpu.memref_slice %arg24[%multiple_of3A_67, %dma_start3A_74] : memref<10240x64xf32, #tpu.memory_space<vmem_shared>> -> memref<640x64xf32, #tpu.memory_space<vmem_shared>>
      tpu.enqueue_dma source(%dma_start3A_75 : memref<640x64xf32, #tpu.memory_space<vmem_shared>>) target(%dma_start3A_73 : memref<640x64xf32, #tpu.memory_space<hbm>>) target_semaphore(%run_scoped3A : memref<!tpu.dma_semaphore, #tpu.memory_space<semaphore_mem>>)
      %dma_wait3A_76 = arith.constant 0 : i32
      %dma_wait3A_77 = tpu.memref_slice %arg8[%arg0, %multiple_of3A_67, %dma_wait3A_76] : memref<2x10240x64xf32, #tpu.memory_space<hbm>> -> memref<1x640x64xf32, #tpu.memory_space<hbm>>
      %dma_wait3A_78 = tpu.memref_squeeze %dma_wait3A_77 : memref<1x640x64xf32, #tpu.memory_space<hbm>> -> memref<640x64xf32, #tpu.memory_space<hbm>>
      %dma_wait3A_79 = arith.constant 0 : i32
      %dma_wait3A_80 = tpu.memref_slice %arg24[%multiple_of3A_67, %dma_wait3A_79] : memref<10240x64xf32, #tpu.memory_space<vmem_shared>> -> memref<640x64xf32, #tpu.memory_space<vmem_shared>>
      tpu.wait_dma2 semaphore(%run_scoped3A : memref<!tpu.dma_semaphore, #tpu.memory_space<semaphore_mem>>) src(%dma_wait3A_80 : memref<640x64xf32, #tpu.memory_space<vmem_shared>>) dst(%dma_wait3A_78 : memref<640x64xf32, #tpu.memory_space<hbm>>)
      tpu.yield
    }) : () -> ()
    %mul3A_68 = arith.constant 640 : i32
    %mul3A_69 = arith.muli %arg1, %mul3A_68 : i32
    %multiple_of3A_70 = tpu.assume_multiple %mul3A_69, 128 : i32
    "tpu.region"() ({
      %run_scoped3A = tpu.sem_alloc : memref<!tpu.dma_semaphore, #tpu.memory_space<semaphore_mem>>
      %dma_start3A_71 = tpu.memref_slice %arg9[%arg0, %multiple_of3A_70] : memref<2x10240xf32, #tpu.memory_space<hbm>> -> memref<1x640xf32, #tpu.memory_space<hbm>>
      %dma_start3A_72 = tpu.memref_squeeze %dma_start3A_71 : memref<1x640xf32, #tpu.memory_space<hbm>> -> memref<640xf32, #tpu.memory_space<hbm>>
      %dma_start3A_73 = tpu.memref_slice %arg37[%multiple_of3A_70] : memref<10240xf32, #tpu.memory_space<vmem_shared>> -> memref<640xf32, #tpu.memory_space<vmem_shared>>
      tpu.enqueue_dma source(%dma_start3A_73 : memref<640xf32, #tpu.memory_space<vmem_shared>>) target(%dma_start3A_72 : memref<640xf32, #tpu.memory_space<hbm>>) target_semaphore(%run_scoped3A : memref<!tpu.dma_semaphore, #tpu.memory_space<semaphore_mem>>)
      %dma_wait3A_74 = tpu.memref_slice %arg9[%arg0, %multiple_of3A_70] : memref<2x10240xf32, #tpu.memory_space<hbm>> -> memref<1x640xf32, #tpu.memory_space<hbm>>
      %dma_wait3A_75 = tpu.memref_squeeze %dma_wait3A_74 : memref<1x640xf32, #tpu.memory_space<hbm>> -> memref<640xf32, #tpu.memory_space<hbm>>
      %dma_wait3A_76 = tpu.memref_slice %arg37[%multiple_of3A_70] : memref<10240xf32, #tpu.memory_space<vmem_shared>> -> memref<640xf32, #tpu.memory_space<vmem_shared>>
      tpu.wait_dma2 semaphore(%run_scoped3A : memref<!tpu.dma_semaphore, #tpu.memory_space<semaphore_mem>>) src(%dma_wait3A_76 : memref<640xf32, #tpu.memory_space<vmem_shared>>) dst(%dma_wait3A_75 : memref<640xf32, #tpu.memory_space<hbm>>)
      tpu.yield
    }) : () -> ()
    return
  }
}

#map = affine_map<(d0, d1) -> (0, 0)>
#map1 = affine_map<(d0, d1) -> (0)>
module attributes {stable_mosaic.version = 14 : i64} {
  func.func @_deg_kernel(%arg0: i32, %arg1: i32, %arg2: memref<2560x128xi32, #tpu.memory_space<hbm>>, %arg3: memref<10240xf32, #tpu.memory_space<hbm>>, %arg4: memref<2x10240xf32, #tpu.memory_space<hbm>>, %arg5: memref<80x128xi32, #tpu.memory_space<vmem>>, %arg6: memref<128xf32, #tpu.memory_space<vmem>>, %arg7: memref<!tpu.dma_semaphore, #tpu.memory_space<semaphore_mem>>, %arg8: memref<10240xf32, #tpu.memory_space<vmem_shared>>) attributes {dimension_semantics = [#tpu.dimension_semantics<core_parallel>, #tpu.dimension_semantics<subcore_parallel>], iteration_bounds = array<i64: 2, 16>, scalar_prefetch = 0 : i64, scratch_operands = 4 : i64, tpu.core_type = #tpu.core_type<sc_vector_subcore>, window_params = [{transform_indices = #map}, {transform_indices = #map1}, {transform_indices = #map}]} {
    %mul3A = arith.constant 16 : i32
    %mul3A_0 = arith.muli %arg0, %mul3A : i32
    %add3A = arith.addi %mul3A_0, %arg1 : i32
    %broadcast_in_dim3A = arith.constant 1.000000e+00 : f32
    %broadcast_in_dim3A_1 = vector.broadcast %broadcast_in_dim3A : f32 to vector<16xf32>
    %swap3A = arith.constant 0 : index
    %swap3A_2 = tpu.vector_load %arg6[%swap3A] {strides = array<i32>} : memref<128xf32, #tpu.memory_space<vmem>>, vector<16xf32>,
    %swap3A_3 = vector.shape_cast %swap3A_2 : vector<16xf32> to vector<16xf32>
    %swap3A_4 = vector.shape_cast %broadcast_in_dim3A_1 : vector<16xf32> to vector<16xf32>
    tpu.vector_store %arg6[%swap3A], %swap3A_4 {strides = array<i32>} : memref<128xf32, #tpu.memory_space<vmem>>, vector<16xf32>,
    %broadcast_in_dim3A_5 = arith.constant 1.000000e+00 : f32
    %broadcast_in_dim3A_6 = vector.broadcast %broadcast_in_dim3A_5 : f32 to vector<16xf32>
    %swap3A_7 = arith.constant 16 : index
    %swap3A_8 = tpu.vector_load %arg6[%swap3A_7] {strides = array<i32>} : memref<128xf32, #tpu.memory_space<vmem>>, vector<16xf32>,
    %swap3A_9 = vector.shape_cast %swap3A_8 : vector<16xf32> to vector<16xf32>
    %swap3A_10 = vector.shape_cast %broadcast_in_dim3A_6 : vector<16xf32> to vector<16xf32>
    tpu.vector_store %arg6[%swap3A_7], %swap3A_10 {strides = array<i32>} : memref<128xf32, #tpu.memory_space<vmem>>, vector<16xf32>,
    %broadcast_in_dim3A_11 = arith.constant 1.000000e+00 : f32
    %broadcast_in_dim3A_12 = vector.broadcast %broadcast_in_dim3A_11 : f32 to vector<16xf32>
    %swap3A_13 = arith.constant 32 : index
    %swap3A_14 = tpu.vector_load %arg6[%swap3A_13] {strides = array<i32>} : memref<128xf32, #tpu.memory_space<vmem>>, vector<16xf32>,
    %swap3A_15 = vector.shape_cast %swap3A_14 : vector<16xf32> to vector<16xf32>
    %swap3A_16 = vector.shape_cast %broadcast_in_dim3A_12 : vector<16xf32> to vector<16xf32>
    tpu.vector_store %arg6[%swap3A_13], %swap3A_16 {strides = array<i32>} : memref<128xf32, #tpu.memory_space<vmem>>, vector<16xf32>,
    %broadcast_in_dim3A_17 = arith.constant 1.000000e+00 : f32
    %broadcast_in_dim3A_18 = vector.broadcast %broadcast_in_dim3A_17 : f32 to vector<16xf32>
    %swap3A_19 = arith.constant 48 : index
    %swap3A_20 = tpu.vector_load %arg6[%swap3A_19] {strides = array<i32>} : memref<128xf32, #tpu.memory_space<vmem>>, vector<16xf32>,
    %swap3A_21 = vector.shape_cast %swap3A_20 : vector<16xf32> to vector<16xf32>
    %swap3A_22 = vector.shape_cast %broadcast_in_dim3A_18 : vector<16xf32> to vector<16xf32>
    tpu.vector_store %arg6[%swap3A_19], %swap3A_22 {strides = array<i32>} : memref<128xf32, #tpu.memory_space<vmem>>, vector<16xf32>,
    %broadcast_in_dim3A_23 = arith.constant 1.000000e+00 : f32
    %broadcast_in_dim3A_24 = vector.broadcast %broadcast_in_dim3A_23 : f32 to vector<16xf32>
    %swap3A_25 = arith.constant 64 : index
    %swap3A_26 = tpu.vector_load %arg6[%swap3A_25] {strides = array<i32>} : memref<128xf32, #tpu.memory_space<vmem>>, vector<16xf32>,
    %swap3A_27 = vector.shape_cast %swap3A_26 : vector<16xf32> to vector<16xf32>
    %swap3A_28 = vector.shape_cast %broadcast_in_dim3A_24 : vector<16xf32> to vector<16xf32>
    tpu.vector_store %arg6[%swap3A_25], %swap3A_28 {strides = array<i32>} : memref<128xf32, #tpu.memory_space<vmem>>, vector<16xf32>,
    %broadcast_in_dim3A_29 = arith.constant 1.000000e+00 : f32
    %broadcast_in_dim3A_30 = vector.broadcast %broadcast_in_dim3A_29 : f32 to vector<16xf32>
    %swap3A_31 = arith.constant 80 : index
    %swap3A_32 = tpu.vector_load %arg6[%swap3A_31] {strides = array<i32>} : memref<128xf32, #tpu.memory_space<vmem>>, vector<16xf32>,
    %swap3A_33 = vector.shape_cast %swap3A_32 : vector<16xf32> to vector<16xf32>
    %swap3A_34 = vector.shape_cast %broadcast_in_dim3A_30 : vector<16xf32> to vector<16xf32>
    tpu.vector_store %arg6[%swap3A_31], %swap3A_34 {strides = array<i32>} : memref<128xf32, #tpu.memory_space<vmem>>, vector<16xf32>,
    %broadcast_in_dim3A_35 = arith.constant 1.000000e+00 : f32
    %broadcast_in_dim3A_36 = vector.broadcast %broadcast_in_dim3A_35 : f32 to vector<16xf32>
    %swap3A_37 = arith.constant 96 : index
    %swap3A_38 = tpu.vector_load %arg6[%swap3A_37] {strides = array<i32>} : memref<128xf32, #tpu.memory_space<vmem>>, vector<16xf32>,
    %swap3A_39 = vector.shape_cast %swap3A_38 : vector<16xf32> to vector<16xf32>
    %swap3A_40 = vector.shape_cast %broadcast_in_dim3A_36 : vector<16xf32> to vector<16xf32>
    tpu.vector_store %arg6[%swap3A_37], %swap3A_40 {strides = array<i32>} : memref<128xf32, #tpu.memory_space<vmem>>, vector<16xf32>,
    %broadcast_in_dim3A_41 = arith.constant 1.000000e+00 : f32
    %broadcast_in_dim3A_42 = vector.broadcast %broadcast_in_dim3A_41 : f32 to vector<16xf32>
    %swap3A_43 = arith.constant 112 : index
    %swap3A_44 = tpu.vector_load %arg6[%swap3A_43] {strides = array<i32>} : memref<128xf32, #tpu.memory_space<vmem>>, vector<16xf32>,
    %swap3A_45 = vector.shape_cast %swap3A_44 : vector<16xf32> to vector<16xf32>
    %swap3A_46 = vector.shape_cast %broadcast_in_dim3A_42 : vector<16xf32> to vector<16xf32>
    tpu.vector_store %arg6[%swap3A_43], %swap3A_46 {strides = array<i32>} : memref<128xf32, #tpu.memory_space<vmem>>, vector<16xf32>,
    %mul3A_47 = arith.constant 80 : i32
    %mul3A_48 = arith.muli %add3A, %mul3A_47 : i32
    %multiple_of3A = tpu.assume_multiple %mul3A_48, 8 : i32
    "tpu.region"() ({
      %run_scoped3A = tpu.sem_alloc : memref<!tpu.dma_semaphore, #tpu.memory_space<semaphore_mem>>
      %dma_start3A = arith.constant 0 : i32
      %dma_start3A_67 = tpu.memref_slice %arg2[%multiple_of3A, %dma_start3A] : memref<2560x128xi32, #tpu.memory_space<hbm>> -> memref<80x128xi32, #tpu.memory_space<hbm>>
      %dma_start3A_68 = arith.constant 0 : i32
      %dma_start3A_69 = tpu.memref_slice %arg2[%multiple_of3A, %dma_start3A_68] : memref<2560x128xi32, #tpu.memory_space<hbm>> -> memref<80x128xi32, #tpu.memory_space<hbm>>
      tpu.enqueue_dma source(%dma_start3A_69 : memref<80x128xi32, #tpu.memory_space<hbm>>) target(%arg5 : memref<80x128xi32, #tpu.memory_space<vmem>>) target_semaphore(%run_scoped3A : memref<!tpu.dma_semaphore, #tpu.memory_space<semaphore_mem>>)
      %dma_wait3A = arith.constant 0 : i32
      %dma_wait3A_70 = tpu.memref_slice %arg2[%multiple_of3A, %dma_wait3A] : memref<2560x128xi32, #tpu.memory_space<hbm>> -> memref<80x128xi32, #tpu.memory_space<hbm>>
      %dma_wait3A_71 = arith.constant 0 : i32
      %dma_wait3A_72 = tpu.memref_slice %arg2[%multiple_of3A, %dma_wait3A_71] : memref<2560x128xi32, #tpu.memory_space<hbm>> -> memref<80x128xi32, #tpu.memory_space<hbm>>
      tpu.wait_dma2 semaphore(%run_scoped3A : memref<!tpu.dma_semaphore, #tpu.memory_space<semaphore_mem>>) src(%dma_wait3A_72 : memref<80x128xi32, #tpu.memory_space<hbm>>) dst(%arg5 : memref<80x128xi32, #tpu.memory_space<vmem>>)
      tpu.yield
    }) : () -> ()
    %mul3A_49 = arith.constant 640 : i32
    %mul3A_50 = arith.muli %arg1, %mul3A_49 : i32
    %multiple_of3A_51 = tpu.assume_multiple %mul3A_50, 128 : i32
    "tpu.region"() ({
      %run_scoped3A = tpu.sem_alloc : memref<!tpu.dma_semaphore, #tpu.memory_space<semaphore_mem>>
      %dma_start3A = tpu.memref_slice %arg8[%multiple_of3A_51] : memref<10240xf32, #tpu.memory_space<vmem_shared>> -> memref<640xf32, #tpu.memory_space<vmem_shared>>
      %dma_start3A_67 = tpu.memref_slice %arg3[%multiple_of3A_51] : memref<10240xf32, #tpu.memory_space<hbm>> -> memref<640xf32, #tpu.memory_space<hbm>>
      tpu.enqueue_dma source(%dma_start3A_67 : memref<640xf32, #tpu.memory_space<hbm>>) target(%dma_start3A : memref<640xf32, #tpu.memory_space<vmem_shared>>) target_semaphore(%run_scoped3A : memref<!tpu.dma_semaphore, #tpu.memory_space<semaphore_mem>>)
      %dma_wait3A = tpu.memref_slice %arg8[%multiple_of3A_51] : memref<10240xf32, #tpu.memory_space<vmem_shared>> -> memref<640xf32, #tpu.memory_space<vmem_shared>>
      %dma_wait3A_68 = tpu.memref_slice %arg3[%multiple_of3A_51] : memref<10240xf32, #tpu.memory_space<hbm>> -> memref<640xf32, #tpu.memory_space<hbm>>
      tpu.wait_dma2 semaphore(%run_scoped3A : memref<!tpu.dma_semaphore, #tpu.memory_space<semaphore_mem>>) src(%dma_wait3A_68 : memref<640xf32, #tpu.memory_space<hbm>>) dst(%dma_wait3A : memref<640xf32, #tpu.memory_space<vmem_shared>>)
      tpu.yield
    }) : () -> ()
    %barrier3A = arith.constant 0 : index
    tpu.barrier barrier_id(%barrier3A)
    %scan3A = arith.constant 0 : i32
    %scan3A_52 = arith.constant 0 : i32
    %scan3A_53 = arith.constant 80 : i32
    %scan3A_54 = arith.addi %scan3A_52, %scan3A_53 : i32
    %scan3A_55 = arith.constant 1 : i32
    scf.for %scan3A_67 = %scan3A_52 to %scan3A_54 step %scan3A_55  : i32 {
      %dma_start3A = arith.constant 0 : i32
      %dma_start3A_68 = tpu.memref_slice %arg5[%scan3A_67, %dma_start3A] : memref<80x128xi32, #tpu.memory_space<vmem>> -> memref<1x128xi32, #tpu.memory_space<vmem>>
      %dma_start3A_69 = tpu.memref_squeeze %dma_start3A_68 : memref<1x128xi32, #tpu.memory_space<vmem>> -> memref<128xi32, #tpu.memory_space<vmem>>
      %dma_start3A_70 = arith.constant 0 : i32
      %dma_start3A_71 = tpu.memref_slice %arg8[%dma_start3A_70] : memref<10240xf32, #tpu.memory_space<vmem_shared>> -> memref<10240xf32, #tpu.memory_space<vmem_shared>>
      tpu.enqueue_indirect_dma source(%arg6 : memref<128xf32, #tpu.memory_space<vmem>>) target(%dma_start3A_71 : memref<10240xf32, #tpu.memory_space<vmem_shared>>) offsets(%dma_start3A_69 : memref<128xi32, #tpu.memory_space<vmem>>) semaphore(%arg7 : memref<!tpu.dma_semaphore, #tpu.memory_space<semaphore_mem>>) {add = true}
    }
    %scan3A_56 = arith.constant 80 : i32
    %scan3A_57 = arith.constant 0 : i32
    %scan3A_58 = arith.constant 0 : i32
    %scan3A_59 = arith.constant 80 : i32
    %scan3A_60 = arith.addi %scan3A_58, %scan3A_59 : i32
    %scan3A_61 = arith.constant 1 : i32
    scf.for %scan3A_67 = %scan3A_58 to %scan3A_60 step %scan3A_61  : i32 {
      %dma_wait3A = arith.constant 0 : i32
      %dma_wait3A_68 = tpu.memref_slice %arg5[%scan3A_67, %dma_wait3A] : memref<80x128xi32, #tpu.memory_space<vmem>> -> memref<1x128xi32, #tpu.memory_space<vmem>>
      %dma_wait3A_69 = tpu.memref_squeeze %dma_wait3A_68 : memref<1x128xi32, #tpu.memory_space<vmem>> -> memref<128xi32, #tpu.memory_space<vmem>>
      %dma_wait3A_70 = arith.constant 0 : i32
      %dma_wait3A_71 = tpu.memref_slice %arg8[%dma_wait3A_70] : memref<10240xf32, #tpu.memory_space<vmem_shared>> -> memref<10240xf32, #tpu.memory_space<vmem_shared>>
      tpu.wait_indirect_dma semaphore(%arg7 : memref<!tpu.dma_semaphore, #tpu.memory_space<semaphore_mem>>) src(%arg6 : memref<128xf32, #tpu.memory_space<vmem>>) dst(%dma_wait3A_71 : memref<10240xf32, #tpu.memory_space<vmem_shared>>)
    }
    %scan3A_62 = arith.constant 80 : i32
    %barrier3A_63 = arith.constant 0 : index
    tpu.barrier barrier_id(%barrier3A_63)
    %mul3A_64 = arith.constant 640 : i32
    %mul3A_65 = arith.muli %arg1, %mul3A_64 : i32
    %multiple_of3A_66 = tpu.assume_multiple %mul3A_65, 128 : i32
    "tpu.region"() ({
      %run_scoped3A = tpu.sem_alloc : memref<!tpu.dma_semaphore, #tpu.memory_space<semaphore_mem>>
      %dma_start3A = tpu.memref_slice %arg4[%arg0, %multiple_of3A_66] : memref<2x10240xf32, #tpu.memory_space<hbm>> -> memref<1x640xf32, #tpu.memory_space<hbm>>
      %dma_start3A_67 = tpu.memref_squeeze %dma_start3A : memref<1x640xf32, #tpu.memory_space<hbm>> -> memref<640xf32, #tpu.memory_space<hbm>>
      %dma_start3A_68 = tpu.memref_slice %arg8[%multiple_of3A_66] : memref<10240xf32, #tpu.memory_space<vmem_shared>> -> memref<640xf32, #tpu.memory_space<vmem_shared>>
      tpu.enqueue_dma source(%dma_start3A_68 : memref<640xf32, #tpu.memory_space<vmem_shared>>) target(%dma_start3A_67 : memref<640xf32, #tpu.memory_space<hbm>>) target_semaphore(%run_scoped3A : memref<!tpu.dma_semaphore, #tpu.memory_space<semaphore_mem>>)
      %dma_wait3A = tpu.memref_slice %arg4[%arg0, %multiple_of3A_66] : memref<2x10240xf32, #tpu.memory_space<hbm>> -> memref<1x640xf32, #tpu.memory_space<hbm>>
      %dma_wait3A_69 = tpu.memref_squeeze %dma_wait3A : memref<1x640xf32, #tpu.memory_space<hbm>> -> memref<640xf32, #tpu.memory_space<hbm>>
      %dma_wait3A_70 = tpu.memref_slice %arg8[%multiple_of3A_66] : memref<10240xf32, #tpu.memory_space<vmem_shared>> -> memref<640xf32, #tpu.memory_space<vmem_shared>>
      tpu.wait_dma2 semaphore(%run_scoped3A : memref<!tpu.dma_semaphore, #tpu.memory_space<semaphore_mem>>) src(%dma_wait3A_70 : memref<640xf32, #tpu.memory_space<vmem_shared>>) dst(%dma_wait3A_69 : memref<640xf32, #tpu.memory_space<hbm>>)
      tpu.yield
    }) : () -> ()
    return
  }
}

#map = affine_map<(d0, d1) -> (0, 0)>
#map1 = affine_map<(d0, d1) -> (0, 0, 0)>
module attributes {stable_mosaic.version = 14 : i64} {
  func.func @body(%arg0: i32, %arg1: i32, %arg2: memref<10240x64xf32, #tpu.memory_space<hbm>>, %arg3: memref<2560x128xi32, #tpu.memory_space<hbm>>, %arg4: memref<2560x128xi32, #tpu.memory_space<hbm>>, %arg5: memref<10240x64xf32, #tpu.memory_space<hbm>>, %arg6: memref<2x10240x64xf32, #tpu.memory_space<hbm>>, %arg7: memref<80x128xi32, #tpu.memory_space<vmem>>, %arg8: memref<80x128xi32, #tpu.memory_space<vmem>>, %arg9: memref<128x64xf32, #tpu.memory_space<vmem>>, %arg10: memref<128x64xf32, #tpu.memory_space<vmem>>, %arg11: memref<128x64xf32, #tpu.memory_space<vmem>>, %arg12: memref<128x64xf32, #tpu.memory_space<vmem>>, %arg13: memref<!tpu.dma_semaphore, #tpu.memory_space<semaphore_mem>>, %arg14: memref<!tpu.dma_semaphore, #tpu.memory_space<semaphore_mem>>, %arg15: memref<!tpu.dma_semaphore, #tpu.memory_space<semaphore_mem>>, %arg16: memref<!tpu.dma_semaphore, #tpu.memory_space<semaphore_mem>>, %arg17: memref<!tpu.dma_semaphore, #tpu.memory_space<semaphore_mem>>, %arg18: memref<!tpu.dma_semaphore, #tpu.memory_space<semaphore_mem>>, %arg19: memref<!tpu.dma_semaphore, #tpu.memory_space<semaphore_mem>>, %arg20: memref<!tpu.dma_semaphore, #tpu.memory_space<semaphore_mem>>, %arg21: memref<10240x64xf32, #tpu.memory_space<vmem_shared>>) attributes {dimension_semantics = [#tpu.dimension_semantics<core_parallel>, #tpu.dimension_semantics<subcore_parallel>], iteration_bounds = array<i64: 2, 16>, scalar_prefetch = 0 : i64, scratch_operands = 15 : i64, tpu.core_type = #tpu.core_type<sc_vector_subcore>, window_params = [{transform_indices = #map}, {transform_indices = #map}, {transform_indices = #map}, {transform_indices = #map}, {transform_indices = #map1}]} {
    %mul3A = arith.constant 16 : i32
    %mul3A_0 = arith.muli %arg0, %mul3A : i32
    %add3A = arith.addi %mul3A_0, %arg1 : i32
    %mul3A_1 = arith.constant 80 : i32
    %mul3A_2 = arith.muli %add3A, %mul3A_1 : i32
    %multiple_of3A = tpu.assume_multiple %mul3A_2, 8 : i32
    "tpu.region"() ({
      %run_scoped3A = tpu.sem_alloc : memref<!tpu.dma_semaphore, #tpu.memory_space<semaphore_mem>>
      %dma_start3A_41 = arith.constant 0 : i32
      %dma_start3A_42 = tpu.memref_slice %arg3[%multiple_of3A, %dma_start3A_41] : memref<2560x128xi32, #tpu.memory_space<hbm>> -> memref<80x128xi32, #tpu.memory_space<hbm>>
      %dma_start3A_43 = arith.constant 0 : i32
      %dma_start3A_44 = tpu.memref_slice %arg3[%multiple_of3A, %dma_start3A_43] : memref<2560x128xi32, #tpu.memory_space<hbm>> -> memref<80x128xi32, #tpu.memory_space<hbm>>
      tpu.enqueue_dma source(%dma_start3A_44 : memref<80x128xi32, #tpu.memory_space<hbm>>) target(%arg7 : memref<80x128xi32, #tpu.memory_space<vmem>>) target_semaphore(%run_scoped3A : memref<!tpu.dma_semaphore, #tpu.memory_space<semaphore_mem>>)
      %dma_wait3A_45 = arith.constant 0 : i32
      %dma_wait3A_46 = tpu.memref_slice %arg3[%multiple_of3A, %dma_wait3A_45] : memref<2560x128xi32, #tpu.memory_space<hbm>> -> memref<80x128xi32, #tpu.memory_space<hbm>>
      %dma_wait3A_47 = arith.constant 0 : i32
      %dma_wait3A_48 = tpu.memref_slice %arg3[%multiple_of3A, %dma_wait3A_47] : memref<2560x128xi32, #tpu.memory_space<hbm>> -> memref<80x128xi32, #tpu.memory_space<hbm>>
      tpu.wait_dma2 semaphore(%run_scoped3A : memref<!tpu.dma_semaphore, #tpu.memory_space<semaphore_mem>>) src(%dma_wait3A_48 : memref<80x128xi32, #tpu.memory_space<hbm>>) dst(%arg7 : memref<80x128xi32, #tpu.memory_space<vmem>>)
      tpu.yield
    }) : () -> ()
    "tpu.region"() ({
      %run_scoped3A = tpu.sem_alloc : memref<!tpu.dma_semaphore, #tpu.memory_space<semaphore_mem>>
      %dma_start3A_41 = arith.constant 0 : i32
      %dma_start3A_42 = tpu.memref_slice %arg4[%multiple_of3A, %dma_start3A_41] : memref<2560x128xi32, #tpu.memory_space<hbm>> -> memref<80x128xi32, #tpu.memory_space<hbm>>
      %dma_start3A_43 = arith.constant 0 : i32
      %dma_start3A_44 = tpu.memref_slice %arg4[%multiple_of3A, %dma_start3A_43] : memref<2560x128xi32, #tpu.memory_space<hbm>> -> memref<80x128xi32, #tpu.memory_space<hbm>>
      tpu.enqueue_dma source(%dma_start3A_44 : memref<80x128xi32, #tpu.memory_space<hbm>>) target(%arg8 : memref<80x128xi32, #tpu.memory_space<vmem>>) target_semaphore(%run_scoped3A : memref<!tpu.dma_semaphore, #tpu.memory_space<semaphore_mem>>)
      %dma_wait3A_45 = arith.constant 0 : i32
      %dma_wait3A_46 = tpu.memref_slice %arg4[%multiple_of3A, %dma_wait3A_45] : memref<2560x128xi32, #tpu.memory_space<hbm>> -> memref<80x128xi32, #tpu.memory_space<hbm>>
      %dma_wait3A_47 = arith.constant 0 : i32
      %dma_wait3A_48 = tpu.memref_slice %arg4[%multiple_of3A, %dma_wait3A_47] : memref<2560x128xi32, #tpu.memory_space<hbm>> -> memref<80x128xi32, #tpu.memory_space<hbm>>
      tpu.wait_dma2 semaphore(%run_scoped3A : memref<!tpu.dma_semaphore, #tpu.memory_space<semaphore_mem>>) src(%dma_wait3A_48 : memref<80x128xi32, #tpu.memory_space<hbm>>) dst(%arg8 : memref<80x128xi32, #tpu.memory_space<vmem>>)
      tpu.yield
    }) : () -> ()
    %dma_start3A = arith.constant 0 : i32
    %dma_start3A_3 = arith.constant 0 : i32
    %dma_start3A_4 = tpu.memref_slice %arg7[%dma_start3A, %dma_start3A_3] : memref<80x128xi32, #tpu.memory_space<vmem>> -> memref<1x128xi32, #tpu.memory_space<vmem>>
    %dma_start3A_5 = tpu.memref_squeeze %dma_start3A_4 : memref<1x128xi32, #tpu.memory_space<vmem>> -> memref<128xi32, #tpu.memory_space<vmem>>
    %dma_start3A_6 = arith.constant 0 : i32
    %dma_start3A_7 = arith.constant 0 : i32
    %dma_start3A_8 = tpu.memref_slice %arg2[%dma_start3A_6, %dma_start3A_7] : memref<10240x64xf32, #tpu.memory_space<hbm>> -> memref<10240x64xf32, #tpu.memory_space<hbm>>
    tpu.enqueue_indirect_dma source(%dma_start3A_8 : memref<10240x64xf32, #tpu.memory_space<hbm>>) target(%arg9 : memref<128x64xf32, #tpu.memory_space<vmem>>) offsets(%dma_start3A_5 : memref<128xi32, #tpu.memory_space<vmem>>) semaphore(%arg13 : memref<!tpu.dma_semaphore, #tpu.memory_space<semaphore_mem>>)
    %dma_start3A_9 = arith.constant 1 : i32
    %dma_start3A_10 = arith.constant 0 : i32
    %dma_start3A_11 = tpu.memref_slice %arg7[%dma_start3A_9, %dma_start3A_10] : memref<80x128xi32, #tpu.memory_space<vmem>> -> memref<1x128xi32, #tpu.memory_space<vmem>>
    %dma_start3A_12 = tpu.memref_squeeze %dma_start3A_11 : memref<1x128xi32, #tpu.memory_space<vmem>> -> memref<128xi32, #tpu.memory_space<vmem>>
    %dma_start3A_13 = arith.constant 0 : i32
    %dma_start3A_14 = arith.constant 0 : i32
    %dma_start3A_15 = tpu.memref_slice %arg2[%dma_start3A_13, %dma_start3A_14] : memref<10240x64xf32, #tpu.memory_space<hbm>> -> memref<10240x64xf32, #tpu.memory_space<hbm>>
    tpu.enqueue_indirect_dma source(%dma_start3A_15 : memref<10240x64xf32, #tpu.memory_space<hbm>>) target(%arg10 : memref<128x64xf32, #tpu.memory_space<vmem>>) offsets(%dma_start3A_12 : memref<128xi32, #tpu.memory_space<vmem>>) semaphore(%arg14 : memref<!tpu.dma_semaphore, #tpu.memory_space<semaphore_mem>>)
    %mul3A_16 = arith.constant 640 : i32
    %mul3A_17 = arith.muli %arg1, %mul3A_16 : i32
    %multiple_of3A_18 = tpu.assume_multiple %mul3A_17, 128 : i32
    "tpu.region"() ({
      %run_scoped3A = tpu.sem_alloc : memref<!tpu.dma_semaphore, #tpu.memory_space<semaphore_mem>>
      %dma_start3A_41 = arith.constant 0 : i32
      %dma_start3A_42 = tpu.memref_slice %arg21[%multiple_of3A_18, %dma_start3A_41] : memref<10240x64xf32, #tpu.memory_space<vmem_shared>> -> memref<640x64xf32, #tpu.memory_space<vmem_shared>>
      %dma_start3A_43 = arith.constant 0 : i32
      %dma_start3A_44 = tpu.memref_slice %arg5[%multiple_of3A_18, %dma_start3A_43] : memref<10240x64xf32, #tpu.memory_space<hbm>> -> memref<640x64xf32, #tpu.memory_space<hbm>>
      tpu.enqueue_dma source(%dma_start3A_44 : memref<640x64xf32, #tpu.memory_space<hbm>>) target(%dma_start3A_42 : memref<640x64xf32, #tpu.memory_space<vmem_shared>>) target_semaphore(%run_scoped3A : memref<!tpu.dma_semaphore, #tpu.memory_space<semaphore_mem>>)
      %dma_wait3A_45 = arith.constant 0 : i32
      %dma_wait3A_46 = tpu.memref_slice %arg21[%multiple_of3A_18, %dma_wait3A_45] : memref<10240x64xf32, #tpu.memory_space<vmem_shared>> -> memref<640x64xf32, #tpu.memory_space<vmem_shared>>
      %dma_wait3A_47 = arith.constant 0 : i32
      %dma_wait3A_48 = tpu.memref_slice %arg5[%multiple_of3A_18, %dma_wait3A_47] : memref<10240x64xf32, #tpu.memory_space<hbm>> -> memref<640x64xf32, #tpu.memory_space<hbm>>
      tpu.wait_dma2 semaphore(%run_scoped3A : memref<!tpu.dma_semaphore, #tpu.memory_space<semaphore_mem>>) src(%dma_wait3A_48 : memref<640x64xf32, #tpu.memory_space<hbm>>) dst(%dma_wait3A_46 : memref<640x64xf32, #tpu.memory_space<vmem_shared>>)
      tpu.yield
    }) : () -> ()
    %barrier3A = arith.constant 0 : index
    tpu.barrier barrier_id(%barrier3A)
    %scan3A = arith.constant 0 : i32
    %scan3A_19 = arith.constant 0 : i32
    %scan3A_20 = arith.constant 20 : i32
    %scan3A_21 = arith.addi %scan3A_19, %scan3A_20 : i32
    %scan3A_22 = arith.constant 1 : i32
    scf.for %scan3A_41 = %scan3A_19 to %scan3A_21 step %scan3A_22  : i32 {
      %mul3A_42 = arith.constant 4 : i32
      %mul3A_43 = arith.muli %mul3A_42, %scan3A_41 : i32
      %add3A_44 = arith.constant 0 : i32
      %add3A_45 = arith.addi %mul3A_43, %add3A_44 : i32
      %dma_wait3A_46 = arith.constant 0 : i32
      %dma_wait3A_47 = tpu.memref_slice %arg7[%add3A_45, %dma_wait3A_46] : memref<80x128xi32, #tpu.memory_space<vmem>> -> memref<1x128xi32, #tpu.memory_space<vmem>>
      %dma_wait3A_48 = tpu.memref_squeeze %dma_wait3A_47 : memref<1x128xi32, #tpu.memory_space<vmem>> -> memref<128xi32, #tpu.memory_space<vmem>>
      %dma_wait3A_49 = arith.constant 0 : i32
      %dma_wait3A_50 = arith.constant 0 : i32
      %dma_wait3A_51 = tpu.memref_slice %arg2[%dma_wait3A_49, %dma_wait3A_50] : memref<10240x64xf32, #tpu.memory_space<hbm>> -> memref<10240x64xf32, #tpu.memory_space<hbm>>
      tpu.wait_indirect_dma semaphore(%arg13 : memref<!tpu.dma_semaphore, #tpu.memory_space<semaphore_mem>>) src(%dma_wait3A_51 : memref<10240x64xf32, #tpu.memory_space<hbm>>) dst(%arg9 : memref<128x64xf32, #tpu.memory_space<vmem>>)
      %dma_start3A_52 = arith.constant 0 : i32
      %dma_start3A_53 = tpu.memref_slice %arg8[%add3A_45, %dma_start3A_52] : memref<80x128xi32, #tpu.memory_space<vmem>> -> memref<1x128xi32, #tpu.memory_space<vmem>>
      %dma_start3A_54 = tpu.memref_squeeze %dma_start3A_53 : memref<1x128xi32, #tpu.memory_space<vmem>> -> memref<128xi32, #tpu.memory_space<vmem>>
      %dma_start3A_55 = arith.constant 0 : i32
      %dma_start3A_56 = arith.constant 0 : i32
      %dma_start3A_57 = tpu.memref_slice %arg21[%dma_start3A_55, %dma_start3A_56] : memref<10240x64xf32, #tpu.memory_space<vmem_shared>> -> memref<10240x64xf32, #tpu.memory_space<vmem_shared>>
      tpu.enqueue_indirect_dma source(%arg9 : memref<128x64xf32, #tpu.memory_space<vmem>>) target(%dma_start3A_57 : memref<10240x64xf32, #tpu.memory_space<vmem_shared>>) offsets(%dma_start3A_54 : memref<128xi32, #tpu.memory_space<vmem>>) semaphore(%arg17 : memref<!tpu.dma_semaphore, #tpu.memory_space<semaphore_mem>>) {add = true}
      %ge3A = arith.constant 2 : i32
      %ge3A_58 = arith.cmpi sge, %add3A_45, %ge3A : i32
      %convert_element_type3A = arith.extui %ge3A_58 : i1 to i32
      %cond3A = arith.constant 0 : i32
      %cond3A_59 = arith.cmpi ne, %convert_element_type3A, %cond3A : i32
      scf.if %cond3A_59 {
        %add3A_150 = arith.constant 2 : i32
        %add3A_151 = arith.addi %add3A_45, %add3A_150 : i32
        %sub3A = arith.constant 4 : i32
        %sub3A_152 = arith.subi %add3A_151, %sub3A : i32
        %dma_wait3A_153 = arith.constant 0 : i32
        %dma_wait3A_154 = tpu.memref_slice %arg8[%sub3A_152, %dma_wait3A_153] : memref<80x128xi32, #tpu.memory_space<vmem>> -> memref<1x128xi32, #tpu.memory_space<vmem>>
        %dma_wait3A_155 = tpu.memref_squeeze %dma_wait3A_154 : memref<1x128xi32, #tpu.memory_space<vmem>> -> memref<128xi32, #tpu.memory_space<vmem>>
        %dma_wait3A_156 = arith.constant 0 : i32
        %dma_wait3A_157 = arith.constant 0 : i32
        %dma_wait3A_158 = tpu.memref_slice %arg21[%dma_wait3A_156, %dma_wait3A_157] : memref<10240x64xf32, #tpu.memory_space<vmem_shared>> -> memref<10240x64xf32, #tpu.memory_space<vmem_shared>>
        tpu.wait_indirect_dma semaphore(%arg19 : memref<!tpu.dma_semaphore, #tpu.memory_space<semaphore_mem>>) src(%arg11 : memref<128x64xf32, #tpu.memory_space<vmem>>) dst(%dma_wait3A_158 : memref<10240x64xf32, #tpu.memory_space<vmem_shared>>)
      } else {
      }
      %add3A_60 = arith.constant 2 : i32
      %add3A_61 = arith.addi %add3A_45, %add3A_60 : i32
      %lt3A = arith.constant 80 : i32
      %lt3A_62 = arith.cmpi slt, %add3A_61, %lt3A : i32
      %convert_element_type3A_63 = arith.extui %lt3A_62 : i1 to i32
      %cond3A_64 = arith.constant 0 : i32
      %cond3A_65 = arith.cmpi ne, %convert_element_type3A_63, %cond3A_64 : i32
      scf.if %cond3A_65 {
        %add3A_150 = arith.constant 2 : i32
        %add3A_151 = arith.addi %add3A_45, %add3A_150 : i32
        %dma_start3A_152 = arith.constant 0 : i32
        %dma_start3A_153 = tpu.memref_slice %arg7[%add3A_151, %dma_start3A_152] : memref<80x128xi32, #tpu.memory_space<vmem>> -> memref<1x128xi32, #tpu.memory_space<vmem>>
        %dma_start3A_154 = tpu.memref_squeeze %dma_start3A_153 : memref<1x128xi32, #tpu.memory_space<vmem>> -> memref<128xi32, #tpu.memory_space<vmem>>
        %dma_start3A_155 = arith.constant 0 : i32
        %dma_start3A_156 = arith.constant 0 : i32
        %dma_start3A_157 = tpu.memref_slice %arg2[%dma_start3A_155, %dma_start3A_156] : memref<10240x64xf32, #tpu.memory_space<hbm>> -> memref<10240x64xf32, #tpu.memory_space<hbm>>
        tpu.enqueue_indirect_dma source(%dma_start3A_157 : memref<10240x64xf32, #tpu.memory_space<hbm>>) target(%arg11 : memref<128x64xf32, #tpu.memory_space<vmem>>) offsets(%dma_start3A_154 : memref<128xi32, #tpu.memory_space<vmem>>) semaphore(%arg15 : memref<!tpu.dma_semaphore, #tpu.memory_space<semaphore_mem>>)
      } else {
      }
      %mul3A_66 = arith.constant 4 : i32
      %mul3A_67 = arith.muli %mul3A_66, %scan3A_41 : i32
      %add3A_68 = arith.constant 1 : i32
      %add3A_69 = arith.addi %mul3A_67, %add3A_68 : i32
      %dma_wait3A_70 = arith.constant 0 : i32
      %dma_wait3A_71 = tpu.memref_slice %arg7[%add3A_69, %dma_wait3A_70] : memref<80x128xi32, #tpu.memory_space<vmem>> -> memref<1x128xi32, #tpu.memory_space<vmem>>
      %dma_wait3A_72 = tpu.memref_squeeze %dma_wait3A_71 : memref<1x128xi32, #tpu.memory_space<vmem>> -> memref<128xi32, #tpu.memory_space<vmem>>
      %dma_wait3A_73 = arith.constant 0 : i32
      %dma_wait3A_74 = arith.constant 0 : i32
      %dma_wait3A_75 = tpu.memref_slice %arg2[%dma_wait3A_73, %dma_wait3A_74] : memref<10240x64xf32, #tpu.memory_space<hbm>> -> memref<10240x64xf32, #tpu.memory_space<hbm>>
      tpu.wait_indirect_dma semaphore(%arg14 : memref<!tpu.dma_semaphore, #tpu.memory_space<semaphore_mem>>) src(%dma_wait3A_75 : memref<10240x64xf32, #tpu.memory_space<hbm>>) dst(%arg10 : memref<128x64xf32, #tpu.memory_space<vmem>>)
      %dma_start3A_76 = arith.constant 0 : i32
      %dma_start3A_77 = tpu.memref_slice %arg8[%add3A_69, %dma_start3A_76] : memref<80x128xi32, #tpu.memory_space<vmem>> -> memref<1x128xi32, #tpu.memory_space<vmem>>
      %dma_start3A_78 = tpu.memref_squeeze %dma_start3A_77 : memref<1x128xi32, #tpu.memory_space<vmem>> -> memref<128xi32, #tpu.memory_space<vmem>>
      %dma_start3A_79 = arith.constant 0 : i32
      %dma_start3A_80 = arith.constant 0 : i32
      %dma_start3A_81 = tpu.memref_slice %arg21[%dma_start3A_79, %dma_start3A_80] : memref<10240x64xf32, #tpu.memory_space<vmem_shared>> -> memref<10240x64xf32, #tpu.memory_space<vmem_shared>>
      tpu.enqueue_indirect_dma source(%arg10 : memref<128x64xf32, #tpu.memory_space<vmem>>) target(%dma_start3A_81 : memref<10240x64xf32, #tpu.memory_space<vmem_shared>>) offsets(%dma_start3A_78 : memref<128xi32, #tpu.memory_space<vmem>>) semaphore(%arg18 : memref<!tpu.dma_semaphore, #tpu.memory_space<semaphore_mem>>) {add = true}
      %ge3A_82 = arith.constant 2 : i32
      %ge3A_83 = arith.cmpi sge, %add3A_69, %ge3A_82 : i32
      %convert_element_type3A_84 = arith.extui %ge3A_83 : i1 to i32
      %cond3A_85 = arith.constant 0 : i32
      %cond3A_86 = arith.cmpi ne, %convert_element_type3A_84, %cond3A_85 : i32
      scf.if %cond3A_86 {
        %add3A_150 = arith.constant 2 : i32
        %add3A_151 = arith.addi %add3A_69, %add3A_150 : i32
        %sub3A = arith.constant 4 : i32
        %sub3A_152 = arith.subi %add3A_151, %sub3A : i32
        %dma_wait3A_153 = arith.constant 0 : i32
        %dma_wait3A_154 = tpu.memref_slice %arg8[%sub3A_152, %dma_wait3A_153] : memref<80x128xi32, #tpu.memory_space<vmem>> -> memref<1x128xi32, #tpu.memory_space<vmem>>
        %dma_wait3A_155 = tpu.memref_squeeze %dma_wait3A_154 : memref<1x128xi32, #tpu.memory_space<vmem>> -> memref<128xi32, #tpu.memory_space<vmem>>
        %dma_wait3A_156 = arith.constant 0 : i32
        %dma_wait3A_157 = arith.constant 0 : i32
        %dma_wait3A_158 = tpu.memref_slice %arg21[%dma_wait3A_156, %dma_wait3A_157] : memref<10240x64xf32, #tpu.memory_space<vmem_shared>> -> memref<10240x64xf32, #tpu.memory_space<vmem_shared>>
        tpu.wait_indirect_dma semaphore(%arg20 : memref<!tpu.dma_semaphore, #tpu.memory_space<semaphore_mem>>) src(%arg12 : memref<128x64xf32, #tpu.memory_space<vmem>>) dst(%dma_wait3A_158 : memref<10240x64xf32, #tpu.memory_space<vmem_shared>>)
      } else {
      }
      %add3A_87 = arith.constant 2 : i32
      %add3A_88 = arith.addi %add3A_69, %add3A_87 : i32
      %lt3A_89 = arith.constant 80 : i32
      %lt3A_90 = arith.cmpi slt, %add3A_88, %lt3A_89 : i32
      %convert_element_type3A_91 = arith.extui %lt3A_90 : i1 to i32
      %cond3A_92 = arith.constant 0 : i32
      %cond3A_93 = arith.cmpi ne, %convert_element_type3A_91, %cond3A_92 : i32
      scf.if %cond3A_93 {
        %add3A_150 = arith.constant 2 : i32
        %add3A_151 = arith.addi %add3A_69, %add3A_150 : i32
        %dma_start3A_152 = arith.constant 0 : i32
        %dma_start3A_153 = tpu.memref_slice %arg7[%add3A_151, %dma_start3A_152] : memref<80x128xi32, #tpu.memory_space<vmem>> -> memref<1x128xi32, #tpu.memory_space<vmem>>
        %dma_start3A_154 = tpu.memref_squeeze %dma_start3A_153 : memref<1x128xi32, #tpu.memory_space<vmem>> -> memref<128xi32, #tpu.memory_space<vmem>>
        %dma_start3A_155 = arith.constant 0 : i32
        %dma_start3A_156 = arith.constant 0 : i32
        %dma_start3A_157 = tpu.memref_slice %arg2[%dma_start3A_155, %dma_start3A_156] : memref<10240x64xf32, #tpu.memory_space<hbm>> -> memref<10240x64xf32, #tpu.memory_space<hbm>>
        tpu.enqueue_indirect_dma source(%dma_start3A_157 : memref<10240x64xf32, #tpu.memory_space<hbm>>) target(%arg12 : memref<128x64xf32, #tpu.memory_space<vmem>>) offsets(%dma_start3A_154 : memref<128xi32, #tpu.memory_space<vmem>>) semaphore(%arg16 : memref<!tpu.dma_semaphore, #tpu.memory_space<semaphore_mem>>)
      } else {
      }
      %mul3A_94 = arith.constant 4 : i32
      %mul3A_95 = arith.muli %mul3A_94, %scan3A_41 : i32
      %add3A_96 = arith.constant 2 : i32
      %add3A_97 = arith.addi %mul3A_95, %add3A_96 : i32
      %dma_wait3A_98 = arith.constant 0 : i32
      %dma_wait3A_99 = tpu.memref_slice %arg7[%add3A_97, %dma_wait3A_98] : memref<80x128xi32, #tpu.memory_space<vmem>> -> memref<1x128xi32, #tpu.memory_space<vmem>>
      %dma_wait3A_100 = tpu.memref_squeeze %dma_wait3A_99 : memref<1x128xi32, #tpu.memory_space<vmem>> -> memref<128xi32, #tpu.memory_space<vmem>>
      %dma_wait3A_101 = arith.constant 0 : i32
      %dma_wait3A_102 = arith.constant 0 : i32
      %dma_wait3A_103 = tpu.memref_slice %arg2[%dma_wait3A_101, %dma_wait3A_102] : memref<10240x64xf32, #tpu.memory_space<hbm>> -> memref<10240x64xf32, #tpu.memory_space<hbm>>
      tpu.wait_indirect_dma semaphore(%arg15 : memref<!tpu.dma_semaphore, #tpu.memory_space<semaphore_mem>>) src(%dma_wait3A_103 : memref<10240x64xf32, #tpu.memory_space<hbm>>) dst(%arg11 : memref<128x64xf32, #tpu.memory_space<vmem>>)
      %dma_start3A_104 = arith.constant 0 : i32
      %dma_start3A_105 = tpu.memref_slice %arg8[%add3A_97, %dma_start3A_104] : memref<80x128xi32, #tpu.memory_space<vmem>> -> memref<1x128xi32, #tpu.memory_space<vmem>>
      %dma_start3A_106 = tpu.memref_squeeze %dma_start3A_105 : memref<1x128xi32, #tpu.memory_space<vmem>> -> memref<128xi32, #tpu.memory_space<vmem>>
      %dma_start3A_107 = arith.constant 0 : i32
      %dma_start3A_108 = arith.constant 0 : i32
      %dma_start3A_109 = tpu.memref_slice %arg21[%dma_start3A_107, %dma_start3A_108] : memref<10240x64xf32, #tpu.memory_space<vmem_shared>> -> memref<10240x64xf32, #tpu.memory_space<vmem_shared>>
      tpu.enqueue_indirect_dma source(%arg11 : memref<128x64xf32, #tpu.memory_space<vmem>>) target(%dma_start3A_109 : memref<10240x64xf32, #tpu.memory_space<vmem_shared>>) offsets(%dma_start3A_106 : memref<128xi32, #tpu.memory_space<vmem>>) semaphore(%arg19 : memref<!tpu.dma_semaphore, #tpu.memory_space<semaphore_mem>>) {add = true}
      %ge3A_110 = arith.constant 2 : i32
      %ge3A_111 = arith.cmpi sge, %add3A_97, %ge3A_110 : i32
      %convert_element_type3A_112 = arith.extui %ge3A_111 : i1 to i32
      %cond3A_113 = arith.constant 0 : i32
      %cond3A_114 = arith.cmpi ne, %convert_element_type3A_112, %cond3A_113 : i32
      scf.if %cond3A_114 {
        %add3A_150 = arith.constant 2 : i32
        %add3A_151 = arith.addi %add3A_97, %add3A_150 : i32
        %sub3A = arith.constant 4 : i32
        %sub3A_152 = arith.subi %add3A_151, %sub3A : i32
        %dma_wait3A_153 = arith.constant 0 : i32
        %dma_wait3A_154 = tpu.memref_slice %arg8[%sub3A_152, %dma_wait3A_153] : memref<80x128xi32, #tpu.memory_space<vmem>> -> memref<1x128xi32, #tpu.memory_space<vmem>>
        %dma_wait3A_155 = tpu.memref_squeeze %dma_wait3A_154 : memref<1x128xi32, #tpu.memory_space<vmem>> -> memref<128xi32, #tpu.memory_space<vmem>>
        %dma_wait3A_156 = arith.constant 0 : i32
        %dma_wait3A_157 = arith.constant 0 : i32
        %dma_wait3A_158 = tpu.memref_slice %arg21[%dma_wait3A_156, %dma_wait3A_157] : memref<10240x64xf32, #tpu.memory_space<vmem_shared>> -> memref<10240x64xf32, #tpu.memory_space<vmem_shared>>
        tpu.wait_indirect_dma semaphore(%arg17 : memref<!tpu.dma_semaphore, #tpu.memory_space<semaphore_mem>>) src(%arg9 : memref<128x64xf32, #tpu.memory_space<vmem>>) dst(%dma_wait3A_158 : memref<10240x64xf32, #tpu.memory_space<vmem_shared>>)
      } else {
      }
      %add3A_115 = arith.constant 2 : i32
      %add3A_116 = arith.addi %add3A_97, %add3A_115 : i32
      %lt3A_117 = arith.constant 80 : i32
      %lt3A_118 = arith.cmpi slt, %add3A_116, %lt3A_117 : i32
      %convert_element_type3A_119 = arith.extui %lt3A_118 : i1 to i32
      %cond3A_120 = arith.constant 0 : i32
      %cond3A_121 = arith.cmpi ne, %convert_element_type3A_119, %cond3A_120 : i32
      scf.if %cond3A_121 {
        %add3A_150 = arith.constant 2 : i32
        %add3A_151 = arith.addi %add3A_97, %add3A_150 : i32
        %dma_start3A_152 = arith.constant 0 : i32
        %dma_start3A_153 = tpu.memref_slice %arg7[%add3A_151, %dma_start3A_152] : memref<80x128xi32, #tpu.memory_space<vmem>> -> memref<1x128xi32, #tpu.memory_space<vmem>>
        %dma_start3A_154 = tpu.memref_squeeze %dma_start3A_153 : memref<1x128xi32, #tpu.memory_space<vmem>> -> memref<128xi32, #tpu.memory_space<vmem>>
        %dma_start3A_155 = arith.constant 0 : i32
        %dma_start3A_156 = arith.constant 0 : i32
        %dma_start3A_157 = tpu.memref_slice %arg2[%dma_start3A_155, %dma_start3A_156] : memref<10240x64xf32, #tpu.memory_space<hbm>> -> memref<10240x64xf32, #tpu.memory_space<hbm>>
        tpu.enqueue_indirect_dma source(%dma_start3A_157 : memref<10240x64xf32, #tpu.memory_space<hbm>>) target(%arg9 : memref<128x64xf32, #tpu.memory_space<vmem>>) offsets(%dma_start3A_154 : memref<128xi32, #tpu.memory_space<vmem>>) semaphore(%arg13 : memref<!tpu.dma_semaphore, #tpu.memory_space<semaphore_mem>>)
      } else {
      }
      %mul3A_122 = arith.constant 4 : i32
      %mul3A_123 = arith.muli %mul3A_122, %scan3A_41 : i32
      %add3A_124 = arith.constant 3 : i32
      %add3A_125 = arith.addi %mul3A_123, %add3A_124 : i32
      %dma_wait3A_126 = arith.constant 0 : i32
      %dma_wait3A_127 = tpu.memref_slice %arg7[%add3A_125, %dma_wait3A_126] : memref<80x128xi32, #tpu.memory_space<vmem>> -> memref<1x128xi32, #tpu.memory_space<vmem>>
      %dma_wait3A_128 = tpu.memref_squeeze %dma_wait3A_127 : memref<1x128xi32, #tpu.memory_space<vmem>> -> memref<128xi32, #tpu.memory_space<vmem>>
      %dma_wait3A_129 = arith.constant 0 : i32
      %dma_wait3A_130 = arith.constant 0 : i32
      %dma_wait3A_131 = tpu.memref_slice %arg2[%dma_wait3A_129, %dma_wait3A_130] : memref<10240x64xf32, #tpu.memory_space<hbm>> -> memref<10240x64xf32, #tpu.memory_space<hbm>>
      tpu.wait_indirect_dma semaphore(%arg16 : memref<!tpu.dma_semaphore, #tpu.memory_space<semaphore_mem>>) src(%dma_wait3A_131 : memref<10240x64xf32, #tpu.memory_space<hbm>>) dst(%arg12 : memref<128x64xf32, #tpu.memory_space<vmem>>)
      %dma_start3A_132 = arith.constant 0 : i32
      %dma_start3A_133 = tpu.memref_slice %arg8[%add3A_125, %dma_start3A_132] : memref<80x128xi32, #tpu.memory_space<vmem>> -> memref<1x128xi32, #tpu.memory_space<vmem>>
      %dma_start3A_134 = tpu.memref_squeeze %dma_start3A_133 : memref<1x128xi32, #tpu.memory_space<vmem>> -> memref<128xi32, #tpu.memory_space<vmem>>
      %dma_start3A_135 = arith.constant 0 : i32
      %dma_start3A_136 = arith.constant 0 : i32
      %dma_start3A_137 = tpu.memref_slice %arg21[%dma_start3A_135, %dma_start3A_136] : memref<10240x64xf32, #tpu.memory_space<vmem_shared>> -> memref<10240x64xf32, #tpu.memory_space<vmem_shared>>
      tpu.enqueue_indirect_dma source(%arg12 : memref<128x64xf32, #tpu.memory_space<vmem>>) target(%dma_start3A_137 : memref<10240x64xf32, #tpu.memory_space<vmem_shared>>) offsets(%dma_start3A_134 : memref<128xi32, #tpu.memory_space<vmem>>) semaphore(%arg20 : memref<!tpu.dma_semaphore, #tpu.memory_space<semaphore_mem>>) {add = true}
      %ge3A_138 = arith.constant 2 : i32
      %ge3A_139 = arith.cmpi sge, %add3A_125, %ge3A_138 : i32
      %convert_element_type3A_140 = arith.extui %ge3A_139 : i1 to i32
      %cond3A_141 = arith.constant 0 : i32
      %cond3A_142 = arith.cmpi ne, %convert_element_type3A_140, %cond3A_141 : i32
      scf.if %cond3A_142 {
        %add3A_150 = arith.constant 2 : i32
        %add3A_151 = arith.addi %add3A_125, %add3A_150 : i32
        %sub3A = arith.constant 4 : i32
        %sub3A_152 = arith.subi %add3A_151, %sub3A : i32
        %dma_wait3A_153 = arith.constant 0 : i32
        %dma_wait3A_154 = tpu.memref_slice %arg8[%sub3A_152, %dma_wait3A_153] : memref<80x128xi32, #tpu.memory_space<vmem>> -> memref<1x128xi32, #tpu.memory_space<vmem>>
        %dma_wait3A_155 = tpu.memref_squeeze %dma_wait3A_154 : memref<1x128xi32, #tpu.memory_space<vmem>> -> memref<128xi32, #tpu.memory_space<vmem>>
        %dma_wait3A_156 = arith.constant 0 : i32
        %dma_wait3A_157 = arith.constant 0 : i32
        %dma_wait3A_158 = tpu.memref_slice %arg21[%dma_wait3A_156, %dma_wait3A_157] : memref<10240x64xf32, #tpu.memory_space<vmem_shared>> -> memref<10240x64xf32, #tpu.memory_space<vmem_shared>>
        tpu.wait_indirect_dma semaphore(%arg18 : memref<!tpu.dma_semaphore, #tpu.memory_space<semaphore_mem>>) src(%arg10 : memref<128x64xf32, #tpu.memory_space<vmem>>) dst(%dma_wait3A_158 : memref<10240x64xf32, #tpu.memory_space<vmem_shared>>)
      } else {
      }
      %add3A_143 = arith.constant 2 : i32
      %add3A_144 = arith.addi %add3A_125, %add3A_143 : i32
      %lt3A_145 = arith.constant 80 : i32
      %lt3A_146 = arith.cmpi slt, %add3A_144, %lt3A_145 : i32
      %convert_element_type3A_147 = arith.extui %lt3A_146 : i1 to i32
      %cond3A_148 = arith.constant 0 : i32
      %cond3A_149 = arith.cmpi ne, %convert_element_type3A_147, %cond3A_148 : i32
      scf.if %cond3A_149 {
        %add3A_150 = arith.constant 2 : i32
        %add3A_151 = arith.addi %add3A_125, %add3A_150 : i32
        %dma_start3A_152 = arith.constant 0 : i32
        %dma_start3A_153 = tpu.memref_slice %arg7[%add3A_151, %dma_start3A_152] : memref<80x128xi32, #tpu.memory_space<vmem>> -> memref<1x128xi32, #tpu.memory_space<vmem>>
        %dma_start3A_154 = tpu.memref_squeeze %dma_start3A_153 : memref<1x128xi32, #tpu.memory_space<vmem>> -> memref<128xi32, #tpu.memory_space<vmem>>
        %dma_start3A_155 = arith.constant 0 : i32
        %dma_start3A_156 = arith.constant 0 : i32
        %dma_start3A_157 = tpu.memref_slice %arg2[%dma_start3A_155, %dma_start3A_156] : memref<10240x64xf32, #tpu.memory_space<hbm>> -> memref<10240x64xf32, #tpu.memory_space<hbm>>
        tpu.enqueue_indirect_dma source(%dma_start3A_157 : memref<10240x64xf32, #tpu.memory_space<hbm>>) target(%arg10 : memref<128x64xf32, #tpu.memory_space<vmem>>) offsets(%dma_start3A_154 : memref<128xi32, #tpu.memory_space<vmem>>) semaphore(%arg14 : memref<!tpu.dma_semaphore, #tpu.memory_space<semaphore_mem>>)
      } else {
      }
    }
    %scan3A_23 = arith.constant 20 : i32
    %dma_wait3A = arith.constant 78 : i32
    %dma_wait3A_24 = arith.constant 0 : i32
    %dma_wait3A_25 = tpu.memref_slice %arg8[%dma_wait3A, %dma_wait3A_24] : memref<80x128xi32, #tpu.memory_space<vmem>> -> memref<1x128xi32, #tpu.memory_space<vmem>>
    %dma_wait3A_26 = tpu.memref_squeeze %dma_wait3A_25 : memref<1x128xi32, #tpu.memory_space<vmem>> -> memref<128xi32, #tpu.memory_space<vmem>>
    %dma_wait3A_27 = arith.constant 0 : i32
    %dma_wait3A_28 = arith.constant 0 : i32
    %dma_wait3A_29 = tpu.memref_slice %arg21[%dma_wait3A_27, %dma_wait3A_28] : memref<10240x64xf32, #tpu.memory_space<vmem_shared>> -> memref<10240x64xf32, #tpu.memory_space<vmem_shared>>
    tpu.wait_indirect_dma semaphore(%arg19 : memref<!tpu.dma_semaphore, #tpu.memory_space<semaphore_mem>>) src(%arg11 : memref<128x64xf32, #tpu.memory_space<vmem>>) dst(%dma_wait3A_29 : memref<10240x64xf32, #tpu.memory_space<vmem_shared>>)
    %dma_wait3A_30 = arith.constant 79 : i32
    %dma_wait3A_31 = arith.constant 0 : i32
    %dma_wait3A_32 = tpu.memref_slice %arg8[%dma_wait3A_30, %dma_wait3A_31] : memref<80x128xi32, #tpu.memory_space<vmem>> -> memref<1x128xi32, #tpu.memory_space<vmem>>
    %dma_wait3A_33 = tpu.memref_squeeze %dma_wait3A_32 : memref<1x128xi32, #tpu.memory_space<vmem>> -> memref<128xi32, #tpu.memory_space<vmem>>
    %dma_wait3A_34 = arith.constant 0 : i32
    %dma_wait3A_35 = arith.constant 0 : i32
    %dma_wait3A_36 = tpu.memref_slice %arg21[%dma_wait3A_34, %dma_wait3A_35] : memref<10240x64xf32, #tpu.memory_space<vmem_shared>> -> memref<10240x64xf32, #tpu.memory_space<vmem_shared>>
    tpu.wait_indirect_dma semaphore(%arg20 : memref<!tpu.dma_semaphore, #tpu.memory_space<semaphore_mem>>) src(%arg12 : memref<128x64xf32, #tpu.memory_space<vmem>>) dst(%dma_wait3A_36 : memref<10240x64xf32, #tpu.memory_space<vmem_shared>>)
    %barrier3A_37 = arith.constant 0 : index
    tpu.barrier barrier_id(%barrier3A_37)
    %mul3A_38 = arith.constant 640 : i32
    %mul3A_39 = arith.muli %arg1, %mul3A_38 : i32
    %multiple_of3A_40 = tpu.assume_multiple %mul3A_39, 128 : i32
    "tpu.region"() ({
      %run_scoped3A = tpu.sem_alloc : memref<!tpu.dma_semaphore, #tpu.memory_space<semaphore_mem>>
      %dma_start3A_41 = arith.constant 0 : i32
      %dma_start3A_42 = tpu.memref_slice %arg6[%arg0, %multiple_of3A_40, %dma_start3A_41] : memref<2x10240x64xf32, #tpu.memory_space<hbm>> -> memref<1x640x64xf32, #tpu.memory_space<hbm>>
      %dma_start3A_43 = tpu.memref_squeeze %dma_start3A_42 : memref<1x640x64xf32, #tpu.memory_space<hbm>> -> memref<640x64xf32, #tpu.memory_space<hbm>>
      %dma_start3A_44 = arith.constant 0 : i32
      %dma_start3A_45 = tpu.memref_slice %arg21[%multiple_of3A_40, %dma_start3A_44] : memref<10240x64xf32, #tpu.memory_space<vmem_shared>> -> memref<640x64xf32, #tpu.memory_space<vmem_shared>>
      tpu.enqueue_dma source(%dma_start3A_45 : memref<640x64xf32, #tpu.memory_space<vmem_shared>>) target(%dma_start3A_43 : memref<640x64xf32, #tpu.memory_space<hbm>>) target_semaphore(%run_scoped3A : memref<!tpu.dma_semaphore, #tpu.memory_space<semaphore_mem>>)
      %dma_wait3A_46 = arith.constant 0 : i32
      %dma_wait3A_47 = tpu.memref_slice %arg6[%arg0, %multiple_of3A_40, %dma_wait3A_46] : memref<2x10240x64xf32, #tpu.memory_space<hbm>> -> memref<1x640x64xf32, #tpu.memory_space<hbm>>
      %dma_wait3A_48 = tpu.memref_squeeze %dma_wait3A_47 : memref<1x640x64xf32, #tpu.memory_space<hbm>> -> memref<640x64xf32, #tpu.memory_space<hbm>>
      %dma_wait3A_49 = arith.constant 0 : i32
      %dma_wait3A_50 = tpu.memref_slice %arg21[%multiple_of3A_40, %dma_wait3A_49] : memref<10240x64xf32, #tpu.memory_space<vmem_shared>> -> memref<640x64xf32, #tpu.memory_space<vmem_shared>>
      tpu.wait_dma2 semaphore(%run_scoped3A : memref<!tpu.dma_semaphore, #tpu.memory_space<semaphore_mem>>) src(%dma_wait3A_50 : memref<640x64xf32, #tpu.memory_space<vmem_shared>>) dst(%dma_wait3A_48 : memref<640x64xf32, #tpu.memory_space<hbm>>)
      tpu.yield
    }) : () -> ()
    return
  }
}

module attributes {stable_mosaic.version = 14 : i64} {
  func.func @_tc1_body(%arg0: i32, %arg1: memref<640x2xf32, #tpu.memory_space<vmem>>, %arg2: memref<640x128xf32, #tpu.memory_space<vmem>>, %arg3: memref<128x64xf32, #tpu.memory_space<vmem>>, %arg4: memref<640x64xf32, #tpu.memory_space<vmem>>, %arg5: memref<640x1xf32, #tpu.memory_space<vmem>>) attributes {dimension_semantics = [#tpu.dimension_semantics<arbitrary>], iteration_bounds = array<i64: 16>, scalar_prefetch = 0 : i64, scratch_operands = 0 : i64, tpu.core_type = #tpu.core_type<tc>, window_params = [{transform_indices = @transform_0, window_bounds = array<i64: 640, 2>}, {transform_indices = @transform_1, window_bounds = array<i64: 640, 128>}, {pipeline_mode = #tpu.pipeline_mode<synchronous>, transform_indices = @transform_2, window_bounds = array<i64: 128, 64>}, {transform_indices = @transform_3, window_bounds = array<i64: 640, 64>}, {transform_indices = @transform_4, window_bounds = array<i64: 640, 1>}]} {
    %get3A = arith.constant 0 : index
    %get3A_0 = arith.constant 0 : index
    %get3A_1 = vector.load %arg1[%get3A, %get3A_0] : memref<640x2xf32, #tpu.memory_space<vmem>>, vector<640x2xf32>
    %slice3A = vector.extract_strided_slice %get3A_1 {offsets = [0, 0], sizes = [640, 1], strides = [1, 1]} : vector<640x2xf32> to vector<640x1xf32>
    %slice3A_2 = vector.extract_strided_slice %get3A_1 {offsets = [0, 1], sizes = [640, 1], strides = [1, 1]} : vector<640x2xf32> to vector<640x1xf32>
    %add3A = arith.addf %slice3A, %slice3A_2 : vector<640x1xf32>
    %add3A_3 = arith.constant 1.000000e+00 : f32
    %add3A_4 = vector.broadcast %add3A_3 : f32 to vector<640x1xf32>
    %add3A_5 = arith.addf %add3A, %add3A_4 : vector<640x1xf32>
    %rsqrt3A = math.rsqrt %add3A_5 : vector<640x1xf32>
    %get3A_6 = arith.constant 0 : index
    %get3A_7 = arith.constant 0 : index
    %get3A_8 = vector.load %arg2[%get3A_6, %get3A_7] : memref<640x128xf32, #tpu.memory_space<vmem>>, vector<640x128xf32>
    %get3A_9 = arith.constant 0 : index
    %get3A_10 = arith.constant 0 : index
    %get3A_11 = vector.load %arg3[%get3A_9, %get3A_10] : memref<128x64xf32, #tpu.memory_space<vmem>>, vector<128x64xf32>
    %dot_general3A = arith.constant dense<0.000000e+00> : vector<640x64xf32>
    %dot_general3A_12 = tpu.matmul %get3A_8, %get3A_11, %dot_general3A {dimension_numbers = #tpu.dot_dimension_numbers<[1], [0], [0], [1], [0, 0, 1, 1], [], []>, transpose_lhs_hint = false} : vector<640x128xf32>, vector<128x64xf32>, vector<640x64xf32> -> vector<640x64xf32>
    %mul3A = vector.broadcast %rsqrt3A : vector<640x1xf32> to vector<640x64xf32>
    %mul3A_13 = arith.mulf %mul3A, %dot_general3A_12 : vector<640x64xf32>
    %swap3A = arith.constant 0 : index
    %swap3A_14 = arith.constant 0 : index
    %swap3A_15 = vector.load %arg4[%swap3A, %swap3A_14] : memref<640x64xf32, #tpu.memory_space<vmem>>, vector<640x64xf32>
    tpu.vector_store %arg4[%swap3A, %swap3A_14], %mul3A_13 {strides = array<i32>} : memref<640x64xf32, #tpu.memory_space<vmem>>, vector<640x64xf32>,
    %swap3A_16 = arith.constant 0 : index
    %swap3A_17 = arith.constant 0 : index
    %swap3A_18 = vector.load %arg5[%swap3A_16, %swap3A_17] : memref<640x1xf32, #tpu.memory_space<vmem>>, vector<640x1xf32>
    tpu.vector_store %arg5[%swap3A_16, %swap3A_17], %rsqrt3A {strides = array<i32>} : memref<640x1xf32, #tpu.memory_space<vmem>>, vector<640x1xf32>,
    return
  }
  func.func @transform_0(%arg0: i32) -> (i32, i32) {
    %c0_i32 = arith.constant 0 : i32
    %c0_i32_0 = arith.constant 0 : i32
    return %arg0, %c0_i32 : i32, i32
  }
  func.func @transform_1(%arg0: i32) -> (i32, i32) {
    %c0_i32 = arith.constant 0 : i32
    %c0_i32_0 = arith.constant 0 : i32
    return %arg0, %c0_i32 : i32, i32
  }
  func.func @transform_2(%arg0: i32) -> (i32, i32) {
    %c0_i32 = arith.constant 0 : i32
    %c0_i32_0 = arith.constant 0 : i32
    %c0_i32_1 = arith.constant 0 : i32
    return %c0_i32, %c0_i32_0 : i32, i32
  }
  func.func @transform_3(%arg0: i32) -> (i32, i32) {
    %c0_i32 = arith.constant 0 : i32
    %c0_i32_0 = arith.constant 0 : i32
    return %arg0, %c0_i32 : i32, i32
  }
  func.func @transform_4(%arg0: i32) -> (i32, i32) {
    %c0_i32 = arith.constant 0 : i32
    %c0_i32_0 = arith.constant 0 : i32
    return %arg0, %c0_i32 : i32, i32
  }
}

module attributes {stable_mosaic.version = 14 : i64} {
  func.func @_tc2_body(%arg0: i32, %arg1: memref<2x640x64xf32, #tpu.memory_space<vmem>>, %arg2: memref<640x64xf32, #tpu.memory_space<vmem>>, %arg3: memref<640x1xf32, #tpu.memory_space<vmem>>, %arg4: memref<1x64xf32, #tpu.memory_space<vmem>>, %arg5: memref<64x64xf32, #tpu.memory_space<vmem>>, %arg6: memref<640x64xf32, #tpu.memory_space<vmem>>) attributes {dimension_semantics = [#tpu.dimension_semantics<arbitrary>], iteration_bounds = array<i64: 16>, scalar_prefetch = 0 : i64, scratch_operands = 0 : i64, tpu.core_type = #tpu.core_type<tc>, window_params = [{transform_indices = @transform_0, window_bounds = array<i64: 2, 640, 64>}, {transform_indices = @transform_1, window_bounds = array<i64: 640, 64>}, {transform_indices = @transform_2, window_bounds = array<i64: 640, 1>}, {pipeline_mode = #tpu.pipeline_mode<synchronous>, transform_indices = @transform_3, window_bounds = array<i64: 1, 64>}, {pipeline_mode = #tpu.pipeline_mode<synchronous>, transform_indices = @transform_4, window_bounds = array<i64: 64, 64>}, {transform_indices = @transform_5, window_bounds = array<i64: 640, 64>}]} {
    %get3A = arith.constant 0 : index
    %get3A_0 = arith.constant 0 : index
    %get3A_1 = arith.constant 0 : index
    %get3A_2 = vector.load %arg1[%get3A, %get3A_0, %get3A_1] : memref<2x640x64xf32, #tpu.memory_space<vmem>>, vector<1x640x64xf32>
    %get3A_3 = vector.shape_cast %get3A_2 : vector<1x640x64xf32> to vector<640x64xf32>
    %get3A_4 = arith.constant 1 : index
    %get3A_5 = arith.constant 0 : index
    %get3A_6 = arith.constant 0 : index
    %get3A_7 = vector.load %arg1[%get3A_4, %get3A_5, %get3A_6] : memref<2x640x64xf32, #tpu.memory_space<vmem>>, vector<1x640x64xf32>
    %get3A_8 = vector.shape_cast %get3A_7 : vector<1x640x64xf32> to vector<640x64xf32>
    %add3A = arith.addf %get3A_3, %get3A_8 : vector<640x64xf32>
    %get3A_9 = arith.constant 0 : index
    %get3A_10 = arith.constant 0 : index
    %get3A_11 = vector.load %arg3[%get3A_9, %get3A_10] : memref<640x1xf32, #tpu.memory_space<vmem>>, vector<640x1xf32>
    %get3A_12 = arith.constant 0 : index
    %get3A_13 = arith.constant 0 : index
    %get3A_14 = vector.load %arg2[%get3A_12, %get3A_13] : memref<640x64xf32, #tpu.memory_space<vmem>>, vector<640x64xf32>
    %add3A_15 = arith.addf %add3A, %get3A_14 : vector<640x64xf32>
    %mul3A = vector.broadcast %get3A_11 : vector<640x1xf32> to vector<640x64xf32>
    %mul3A_16 = arith.mulf %mul3A, %add3A_15 : vector<640x64xf32>
    %get3A_17 = arith.constant 0 : index
    %get3A_18 = arith.constant 0 : index
    %get3A_19 = vector.load %arg4[%get3A_17, %get3A_18] : memref<1x64xf32, #tpu.memory_space<vmem>>, vector<1x64xf32>
    %add3A_20 = vector.broadcast %get3A_19 : vector<1x64xf32> to vector<640x64xf32>
    %add3A_21 = arith.addf %mul3A_16, %add3A_20 : vector<640x64xf32>
    %max3A = arith.constant 0.000000e+00 : f32
    %max3A_22 = vector.broadcast %max3A : f32 to vector<640x64xf32>
    %max3A_23 = arith.maximumf %add3A_21, %max3A_22 : vector<640x64xf32>
    %get3A_24 = arith.constant 0 : index
    %get3A_25 = arith.constant 0 : index
    %get3A_26 = vector.load %arg5[%get3A_24, %get3A_25] : memref<64x64xf32, #tpu.memory_space<vmem>>, vector<64x64xf32>
    %dot_general3A = arith.constant dense<0.000000e+00> : vector<640x64xf32>
    %dot_general3A_27 = tpu.matmul %max3A_23, %get3A_26, %dot_general3A {dimension_numbers = #tpu.dot_dimension_numbers<[1], [0], [0], [1], [0, 0, 1, 1], [], []>, transpose_lhs_hint = false} : vector<640x64xf32>, vector<64x64xf32>, vector<640x64xf32> -> vector<640x64xf32>
    %mul3A_28 = vector.broadcast %get3A_11 : vector<640x1xf32> to vector<640x64xf32>
    %mul3A_29 = arith.mulf %mul3A_28, %dot_general3A_27 : vector<640x64xf32>
    %swap3A = arith.constant 0 : index
    %swap3A_30 = arith.constant 0 : index
    %swap3A_31 = vector.load %arg6[%swap3A, %swap3A_30] : memref<640x64xf32, #tpu.memory_space<vmem>>, vector<640x64xf32>
    tpu.vector_store %arg6[%swap3A, %swap3A_30], %mul3A_29 {strides = array<i32>} : memref<640x64xf32, #tpu.memory_space<vmem>>, vector<640x64xf32>,
    return
  }
  func.func @transform_0(%arg0: i32) -> (i32, i32, i32) {
    %c0_i32 = arith.constant 0 : i32
    %c0_i32_0 = arith.constant 0 : i32
    %c0_i32_1 = arith.constant 0 : i32
    return %c0_i32, %arg0, %c0_i32_0 : i32, i32, i32
  }
  func.func @transform_1(%arg0: i32) -> (i32, i32) {
    %c0_i32 = arith.constant 0 : i32
    %c0_i32_0 = arith.constant 0 : i32
    return %arg0, %c0_i32 : i32, i32
  }
  func.func @transform_2(%arg0: i32) -> (i32, i32) {
    %c0_i32 = arith.constant 0 : i32
    %c0_i32_0 = arith.constant 0 : i32
    return %arg0, %c0_i32 : i32, i32
  }
  func.func @transform_3(%arg0: i32) -> (i32, i32) {
    %c0_i32 = arith.constant 0 : i32
    %c0_i32_0 = arith.constant 0 : i32
    %c0_i32_1 = arith.constant 0 : i32
    return %c0_i32, %c0_i32_0 : i32, i32
  }
  func.func @transform_4(%arg0: i32) -> (i32, i32) {
    %c0_i32 = arith.constant 0 : i32
    %c0_i32_0 = arith.constant 0 : i32
    %c0_i32_1 = arith.constant 0 : i32
    return %c0_i32, %c0_i32_0 : i32, i32
  }
  func.func @transform_5(%arg0: i32) -> (i32, i32) {
    %c0_i32 = arith.constant 0 : i32
    %c0_i32_0 = arith.constant 0 : i32
    return %arg0, %c0_i32 : i32, i32
  }
}

module attributes {stable_mosaic.version = 14 : i64} {
  func.func @_tc3_body(%arg0: i32, %arg1: memref<2x640x64xf32, #tpu.memory_space<vmem>>, %arg2: memref<640x64xf32, #tpu.memory_space<vmem>>, %arg3: memref<640x1xf32, #tpu.memory_space<vmem>>, %arg4: memref<640x2xf32, #tpu.memory_space<vmem>>, %arg5: memref<1x64xf32, #tpu.memory_space<vmem>>, %arg6: memref<64x64xf32, #tpu.memory_space<vmem>>, %arg7: memref<1x64xf32, #tpu.memory_space<vmem>>, %arg8: memref<64x32xf32, #tpu.memory_space<vmem>>, %arg9: memref<1x32xf32, #tpu.memory_space<vmem>>, %arg10: memref<32x5xf32, #tpu.memory_space<vmem>>, %arg11: memref<1x5xf32, #tpu.memory_space<vmem>>, %arg12: memref<1x64xf32, #tpu.memory_space<vmem>>, %arg13: memref<1x5xf32, #tpu.memory_space<vmem>>) attributes {dimension_semantics = [#tpu.dimension_semantics<arbitrary>], iteration_bounds = array<i64: 16>, scalar_prefetch = 0 : i64, scratch_operands = 0 : i64, tpu.core_type = #tpu.core_type<tc>, window_params = [{transform_indices = @transform_0, window_bounds = array<i64: 2, 640, 64>}, {transform_indices = @transform_1, window_bounds = array<i64: 640, 64>}, {transform_indices = @transform_2, window_bounds = array<i64: 640, 1>}, {transform_indices = @transform_3, window_bounds = array<i64: 640, 2>}, {pipeline_mode = #tpu.pipeline_mode<synchronous>, transform_indices = @transform_4, window_bounds = array<i64: 1, 64>}, {pipeline_mode = #tpu.pipeline_mode<synchronous>, transform_indices = @transform_5, window_bounds = array<i64: 64, 64>}, {pipeline_mode = #tpu.pipeline_mode<synchronous>, transform_indices = @transform_6, window_bounds = array<i64: 1, 64>}, {pipeline_mode = #tpu.pipeline_mode<synchronous>, transform_indices = @transform_7, window_bounds = array<i64: 64, 32>}, {pipeline_mode = #tpu.pipeline_mode<synchronous>, transform_indices = @transform_8, window_bounds = array<i64: 1, 32>}, {pipeline_mode = #tpu.pipeline_mode<synchronous>, transform_indices = @transform_9, window_bounds = array<i64: 32, 5>}, {pipeline_mode = #tpu.pipeline_mode<synchronous>, transform_indices = @transform_10, window_bounds = array<i64: 1, 5>}, {pipeline_mode = #tpu.pipeline_mode<synchronous>, transform_indices = @transform_11, window_bounds = array<i64: 1, 64>}, {pipeline_mode = #tpu.pipeline_mode<synchronous>, transform_indices = @transform_12, window_bounds = array<i64: 1, 5>}]} {
    %get3A = arith.constant 0 : index
    %get3A_0 = arith.constant 0 : index
    %get3A_1 = arith.constant 0 : index
    %get3A_2 = vector.load %arg1[%get3A, %get3A_0, %get3A_1] : memref<2x640x64xf32, #tpu.memory_space<vmem>>, vector<1x640x64xf32>
    %get3A_3 = vector.shape_cast %get3A_2 : vector<1x640x64xf32> to vector<640x64xf32>
    %get3A_4 = arith.constant 1 : index
    %get3A_5 = arith.constant 0 : index
    %get3A_6 = arith.constant 0 : index
    %get3A_7 = vector.load %arg1[%get3A_4, %get3A_5, %get3A_6] : memref<2x640x64xf32, #tpu.memory_space<vmem>>, vector<1x640x64xf32>
    %get3A_8 = vector.shape_cast %get3A_7 : vector<1x640x64xf32> to vector<640x64xf32>
    %add3A = arith.addf %get3A_3, %get3A_8 : vector<640x64xf32>
    %get3A_9 = arith.constant 0 : index
    %get3A_10 = arith.constant 0 : index
    %get3A_11 = vector.load %arg3[%get3A_9, %get3A_10] : memref<640x1xf32, #tpu.memory_space<vmem>>, vector<640x1xf32>
    %get3A_12 = arith.constant 0 : index
    %get3A_13 = arith.constant 0 : index
    %get3A_14 = vector.load %arg2[%get3A_12, %get3A_13] : memref<640x64xf32, #tpu.memory_space<vmem>>, vector<640x64xf32>
    %add3A_15 = arith.addf %add3A, %get3A_14 : vector<640x64xf32>
    %mul3A = vector.broadcast %get3A_11 : vector<640x1xf32> to vector<640x64xf32>
    %mul3A_16 = arith.mulf %mul3A, %add3A_15 : vector<640x64xf32>
    %get3A_17 = arith.constant 0 : index
    %get3A_18 = arith.constant 0 : index
    %get3A_19 = vector.load %arg5[%get3A_17, %get3A_18] : memref<1x64xf32, #tpu.memory_space<vmem>>, vector<1x64xf32>
    %add3A_20 = vector.broadcast %get3A_19 : vector<1x64xf32> to vector<640x64xf32>
    %add3A_21 = arith.addf %mul3A_16, %add3A_20 : vector<640x64xf32>
    %max3A = arith.constant 0.000000e+00 : f32
    %max3A_22 = vector.broadcast %max3A : f32 to vector<640x64xf32>
    %max3A_23 = arith.maximumf %add3A_21, %max3A_22 : vector<640x64xf32>
    %get3A_24 = arith.constant 0 : index
    %get3A_25 = arith.constant 0 : index
    %get3A_26 = vector.load %arg4[%get3A_24, %get3A_25] : memref<640x2xf32, #tpu.memory_space<vmem>>, vector<640x2xf32>
    %slice3A = vector.extract_strided_slice %get3A_26 {offsets = [0, 0], sizes = [640, 1], strides = [1, 1]} : vector<640x2xf32> to vector<640x1xf32>
    %slice3A_27 = vector.extract_strided_slice %get3A_26 {offsets = [0, 1], sizes = [640, 1], strides = [1, 1]} : vector<640x2xf32> to vector<640x1xf32>
    %add3A_28 = arith.addf %slice3A, %slice3A_27 : vector<640x1xf32>
    %add3A_29 = arith.addf %add3A_28, %get3A_11 : vector<640x1xf32>
    %mul3A_30 = arith.mulf %get3A_11, %add3A_29 : vector<640x1xf32>
    %iota3A = tpu.iota {dimensions = array<i32: 0>} : vector<640x1xi32>
    %mul3A_31 = arith.constant 640 : i32
    %mul3A_32 = arith.muli %arg0, %mul3A_31 : i32
    %add3A_33 = vector.broadcast %mul3A_32 : i32 to vector<640x1xi32>
    %add3A_34 = arith.addi %iota3A, %add3A_33 : vector<640x1xi32>
    %lt3A = arith.constant 10000 : i32
    %lt3A_35 = vector.broadcast %lt3A : i32 to vector<640x1xi32>
    %lt3A_36 = arith.cmpi slt, %add3A_34, %lt3A_35 : vector<640x1xi32>
    %jit3A = arith.constant 0.000000e+00 : f32
    %broadcast_in_dim3A = vector.broadcast %jit3A : f32 to vector<640x1xf32>
    %select_n3A = arith.select %lt3A_36, %mul3A_30, %broadcast_in_dim3A : vector<640x1xi1>, vector<640x1xf32>
    %eq3A = arith.constant 0 : i32
    %eq3A_37 = arith.cmpi eq, %arg0, %eq3A : i32
    %convert_element_type3A = arith.extui %eq3A_37 : i1 to i32
    %cond3A = arith.constant 0 : i32
    %cond3A_38 = arith.cmpi ne, %convert_element_type3A, %cond3A : i32
    scf.if %cond3A_38 {
      %broadcast_in_dim3A_54 = arith.constant 0.000000e+00 : f32
      %broadcast_in_dim3A_55 = vector.broadcast %broadcast_in_dim3A_54 : f32 to vector<1x64xf32>
      %swap3A_56 = arith.constant 0 : index
      %swap3A_57 = arith.constant 0 : index
      %swap3A_58 = vector.load %arg12[%swap3A_56, %swap3A_57] : memref<1x64xf32, #tpu.memory_space<vmem>>, vector<1x64xf32>
      tpu.vector_store %arg12[%swap3A_56, %swap3A_57], %broadcast_in_dim3A_55 {strides = array<i32>} : memref<1x64xf32, #tpu.memory_space<vmem>>, vector<1x64xf32>,
    } else {
    }
    %get3A_39 = arith.constant 0 : index
    %get3A_40 = arith.constant 0 : index
    %get3A_41 = vector.load %arg12[%get3A_39, %get3A_40] : memref<1x64xf32, #tpu.memory_space<vmem>>, vector<1x64xf32>
    %mul3A_42 = vector.broadcast %select_n3A : vector<640x1xf32> to vector<640x64xf32>
    %mul3A_43 = arith.mulf %mul3A_42, %max3A_23 : vector<640x64xf32>
    %reduce_sum3A = arith.constant dense<0.000000e+00> : vector<64xf32>
    %reduce_sum3A_44 = vector.multi_reduction <add>, %mul3A_43, %reduce_sum3A [0] : vector<640x64xf32> to vector<64xf32>
    %broadcast_in_dim3A_45 = vector.shape_cast %reduce_sum3A_44 : vector<64xf32> to vector<1x64xf32>
    %add3A_46 = arith.addf %get3A_41, %broadcast_in_dim3A_45 : vector<1x64xf32>
    %swap3A = arith.constant 0 : index
    %swap3A_47 = arith.constant 0 : index
    %swap3A_48 = vector.load %arg12[%swap3A, %swap3A_47] : memref<1x64xf32, #tpu.memory_space<vmem>>, vector<1x64xf32>
    tpu.vector_store %arg12[%swap3A, %swap3A_47], %add3A_46 {strides = array<i32>} : memref<1x64xf32, #tpu.memory_space<vmem>>, vector<1x64xf32>,
    %eq3A_49 = arith.constant 15 : i32
    %eq3A_50 = arith.cmpi eq, %arg0, %eq3A_49 : i32
    %convert_element_type3A_51 = arith.extui %eq3A_50 : i1 to i32
    %cond3A_52 = arith.constant 0 : i32
    %cond3A_53 = arith.cmpi ne, %convert_element_type3A_51, %cond3A_52 : i32
    scf.if %cond3A_53 {
      %get3A_54 = arith.constant 0 : index
      %get3A_55 = arith.constant 0 : index
      %get3A_56 = vector.load %arg12[%get3A_54, %get3A_55] : memref<1x64xf32, #tpu.memory_space<vmem>>, vector<1x64xf32>
      %get3A_57 = arith.constant 0 : index
      %get3A_58 = arith.constant 0 : index
      %get3A_59 = vector.load %arg6[%get3A_57, %get3A_58] : memref<64x64xf32, #tpu.memory_space<vmem>>, vector<64x64xf32>
      %dot_general3A = arith.constant dense<0.000000e+00> : vector<1x64xf32>
      %dot_general3A_60 = tpu.matmul %get3A_56, %get3A_59, %dot_general3A {dimension_numbers = #tpu.dot_dimension_numbers<[1], [0], [0], [1], [0, 0, 1, 1], [], []>, transpose_lhs_hint = false} : vector<1x64xf32>, vector<64x64xf32>, vector<1x64xf32> -> vector<1x64xf32>
      %mul3A_61 = arith.constant 9.99999974E-5 : f32
      %mul3A_62 = vector.broadcast %mul3A_61 : f32 to vector<1x64xf32>
      %mul3A_63 = arith.mulf %dot_general3A_60, %mul3A_62 : vector<1x64xf32>
      %get3A_64 = arith.constant 0 : index
      %get3A_65 = arith.constant 0 : index
      %get3A_66 = vector.load %arg7[%get3A_64, %get3A_65] : memref<1x64xf32, #tpu.memory_space<vmem>>, vector<1x64xf32>
      %add3A_67 = arith.addf %mul3A_63, %get3A_66 : vector<1x64xf32>
      %get3A_68 = arith.constant 0 : index
      %get3A_69 = arith.constant 0 : index
      %get3A_70 = vector.load %arg8[%get3A_68, %get3A_69] : memref<64x32xf32, #tpu.memory_space<vmem>>, vector<64x32xf32>
      %dot_general3A_71 = arith.constant dense<0.000000e+00> : vector<1x32xf32>
      %dot_general3A_72 = tpu.matmul %add3A_67, %get3A_70, %dot_general3A_71 {dimension_numbers = #tpu.dot_dimension_numbers<[1], [0], [0], [1], [0, 0, 1, 1], [], []>, transpose_lhs_hint = false} : vector<1x64xf32>, vector<64x32xf32>, vector<1x32xf32> -> vector<1x32xf32>
      %get3A_73 = arith.constant 0 : index
      %get3A_74 = arith.constant 0 : index
      %get3A_75 = vector.load %arg9[%get3A_73, %get3A_74] : memref<1x32xf32, #tpu.memory_space<vmem>>, vector<1x32xf32>
      %add3A_76 = arith.addf %dot_general3A_72, %get3A_75 : vector<1x32xf32>
      %max3A_77 = arith.constant 0.000000e+00 : f32
      %max3A_78 = vector.broadcast %max3A_77 : f32 to vector<1x32xf32>
      %max3A_79 = arith.maximumf %add3A_76, %max3A_78 : vector<1x32xf32>
      %get3A_80 = arith.constant 0 : index
      %get3A_81 = arith.constant 0 : index
      %get3A_82 = vector.load %arg10[%get3A_80, %get3A_81] : memref<32x5xf32, #tpu.memory_space<vmem>>, vector<32x5xf32>
      %dot_general3A_83 = arith.constant dense<0.000000e+00> : vector<1x5xf32>
      %dot_general3A_84 = tpu.matmul %max3A_79, %get3A_82, %dot_general3A_83 {dimension_numbers = #tpu.dot_dimension_numbers<[1], [0], [0], [1], [0, 0, 1, 1], [], []>, transpose_lhs_hint = false} : vector<1x32xf32>, vector<32x5xf32>, vector<1x5xf32> -> vector<1x5xf32>
      %get3A_85 = arith.constant 0 : index
      %get3A_86 = arith.constant 0 : index
      %get3A_87 = vector.load %arg11[%get3A_85, %get3A_86] : memref<1x5xf32, #tpu.memory_space<vmem>>, vector<1x5xf32>
      %add3A_88 = arith.addf %dot_general3A_84, %get3A_87 : vector<1x5xf32>
      %swap3A_89 = arith.constant 0 : index
      %swap3A_90 = arith.constant 0 : index
      %swap3A_91 = vector.load %arg13[%swap3A_89, %swap3A_90] : memref<1x5xf32, #tpu.memory_space<vmem>>, vector<1x5xf32>
      tpu.vector_store %arg13[%swap3A_89, %swap3A_90], %add3A_88 {strides = array<i32>} : memref<1x5xf32, #tpu.memory_space<vmem>>, vector<1x5xf32>,
    } else {
    }
    return
  }
  func.func @transform_0(%arg0: i32) -> (i32, i32, i32) {
    %c0_i32 = arith.constant 0 : i32
    %c0_i32_0 = arith.constant 0 : i32
    %c0_i32_1 = arith.constant 0 : i32
    return %c0_i32, %arg0, %c0_i32_0 : i32, i32, i32
  }
  func.func @transform_1(%arg0: i32) -> (i32, i32) {
    %c0_i32 = arith.constant 0 : i32
    %c0_i32_0 = arith.constant 0 : i32
    return %arg0, %c0_i32 : i32, i32
  }
  func.func @transform_2(%arg0: i32) -> (i32, i32) {
    %c0_i32 = arith.constant 0 : i32
    %c0_i32_0 = arith.constant 0 : i32
    return %arg0, %c0_i32 : i32, i32
  }
  func.func @transform_3(%arg0: i32) -> (i32, i32) {
    %c0_i32 = arith.constant 0 : i32
    %c0_i32_0 = arith.constant 0 : i32
    return %arg0, %c0_i32 : i32, i32
  }
  func.func @transform_4(%arg0: i32) -> (i32, i32) {
    %c0_i32 = arith.constant 0 : i32
    %c0_i32_0 = arith.constant 0 : i32
    %c0_i32_1 = arith.constant 0 : i32
    return %c0_i32, %c0_i32_0 : i32, i32
  }
  func.func @transform_5(%arg0: i32) -> (i32, i32) {
    %c0_i32 = arith.constant 0 : i32
    %c0_i32_0 = arith.constant 0 : i32
    %c0_i32_1 = arith.constant 0 : i32
    return %c0_i32, %c0_i32_0 : i32, i32
  }
  func.func @transform_6(%arg0: i32) -> (i32, i32) {
    %c0_i32 = arith.constant 0 : i32
    %c0_i32_0 = arith.constant 0 : i32
    %c0_i32_1 = arith.constant 0 : i32
    return %c0_i32, %c0_i32_0 : i32, i32
  }
  func.func @transform_7(%arg0: i32) -> (i32, i32) {
    %c0_i32 = arith.constant 0 : i32
    %c0_i32_0 = arith.constant 0 : i32
    %c0_i32_1 = arith.constant 0 : i32
    return %c0_i32, %c0_i32_0 : i32, i32
  }
  func.func @transform_8(%arg0: i32) -> (i32, i32) {
    %c0_i32 = arith.constant 0 : i32
    %c0_i32_0 = arith.constant 0 : i32
    %c0_i32_1 = arith.constant 0 : i32
    return %c0_i32, %c0_i32_0 : i32, i32
  }
  func.func @transform_9(%arg0: i32) -> (i32, i32) {
    %c0_i32 = arith.constant 0 : i32
    %c0_i32_0 = arith.constant 0 : i32
    %c0_i32_1 = arith.constant 0 : i32
    return %c0_i32, %c0_i32_0 : i32, i32
  }
  func.func @transform_10(%arg0: i32) -> (i32, i32) {
    %c0_i32 = arith.constant 0 : i32
    %c0_i32_0 = arith.constant 0 : i32
    %c0_i32_1 = arith.constant 0 : i32
    return %c0_i32, %c0_i32_0 : i32, i32
  }
  func.func @transform_11(%arg0: i32) -> (i32, i32) {
    %c0_i32 = arith.constant 0 : i32
    %c0_i32_0 = arith.constant 0 : i32
    %c0_i32_1 = arith.constant 0 : i32
    return %c0_i32, %c0_i32_0 : i32, i32
  }
  func.func @transform_12(%arg0: i32) -> (i32, i32) {
    %c0_i32 = arith.constant 0 : i32
    %c0_i32_0 = arith.constant 0 : i32
    %c0_i32_1 = arith.constant 0 : i32
    return %c0_i32, %c0_i32_0 : i32, i32
  }
}

</mosaic_0001>

<sc_bundles>
// kernel: kernel.11.cloned.1.call-start
scs
__scs_entry_jumppad:
0x0: {  	(pc) =	sbr.rel $0x88, $3  }
0x1: {  	(tag) =	ssettag $0x0;
	lr =	simm.s32 $0x1  }
0x2: {  	[smem:$0x3F95] =	sst lr;
	_ =	strace $0xD0000000  }
0x3: {  	_ = 	snop  }
0x4: {  	_ = 	snop  }
0x5: {  	_ = 	snop  }
0x6: {  	_ = 	snop  }
0x7: {  	_ = 	snop  }
__scs_overlays_trampoline_lowered:
0x8: {  	[smem:$0x3FA4] =	sst s0  }
0x9: {  	[smem:$0x3FA5] =	sst s1  }
0xa: {  	[smem:$0x3FA6] =	sst s2  }
0xb: {  	[smem:$0x3FA7] =	sst s3  }
0xc: {  	[smem:$0x3FA8] =	sst s4  }
0xd: {  	[smem:$0x3FA9] =	sst s5  }
0xe: {  	[smem:$0x3FAA] =	sst s6  }
0xf: {  	[smem:$0x3FAB] =	sst s7  }
0x10: {  	[smem:$0x3FAC] =	sst s8  }
0x11: {  	[smem:$0x3FAD] =	sst s9;
	s0 =	simm.s32 @!p0 $0x0  }
0x12: {  	s1 =	sld [smem:$0x3F93];
	s0 =	simm.s32 @p0 $0x1  }
0x13: {  	[smem:$0x3FAE] =	sst s0;
	s0 =	simm.s32 @!p1 $0x0  }
0x14: {  	s2 =	sld [smem:$0x3F92];
	s0 =	simm.s32 @p1 $0x1  }
0x15: {  	[smem:$0x3FAF] =	sst s0;
	s0 =	simm.s32 @!p2 $0x0  }
0x16: {  	s3 =	sld [smem:$0x3FDB];
	s0 =	simm.s32 @p2 $0x1  }
0x17: {  	s4 =	simm.s32 $0x1BF5;
	[smem:$0x3FB1] =	sst s0  }
0x18: {  	s0 =	sld [smem:$0x3F94];
	_ =	swait.ge [sflag:s4], $0x0  }
0x19: {  	s7 =	sld [smem:$0x3F95]  }
0x1a: {  	s8 =	sadd.s32 $0xFFFFE003, lr  }
0x1b: {  	s9 =	sadd.s32 $0xFFFFFEF7, lr;
	s5 =	simm.s32 $0xFFFFFFFF;
	p2 =	slt.u32 s8, $0xFFFFF086  }
0x1c: {  	p1 =	slt.u32 s9, $0xF7A;
	s5 =	simm.s32 @!p2 $0x0  }
0x1d: {  	s5 =	simm.s32 @p1 $0x1;
	p0 =	seq.s32 s7, s2  }
0x1e: {  	s7 =	smul.u32 @!p0 $0xF7A, s2;
	p2 =	seq.s32 @!p0 s5, $0x0  }
0x1f: {  	s9 =	smul.u32 $0xF7A, s1;
	s8 =	simm.s32 @!p0 $0x1BF5;
	p2 =	por !p2, p0  }
0x20: {  	[sflag:s8] =	ssyncset.s32 @!p0 $0xFFFFF086;
	s6 =	sadd.s32 @!p0 s3, s7;
	s7 =	simm.s32 @!p0 $0x108  }
0x21: {  	s3 =	sadd.s32 s3, s9;
	s6 =	sadd.s32 @!p0 $0x88, s6;
	s7 =	simm.s32 @p2 $0x1082  }
0x22: {  	[simem:s7], [sflag:s8] =	dma.local @!p0 [hbm:s6], $0xF7A  }
0x23: {  	s9 =	sor.u32 $0xD0000000, s2;
	s6 =	simm.s32 $0x108;
	_ =	swait.ge @!p0 [sflag:s8], $0x0  }
0x24: {  	s3 =	sadd.s32 $0x88, s3;
	s6 =	simm.s32 @!p1 $0x1082;
	[sflag:s4] =	ssyncset.s32 $0xFFFFF086  }
0x25: {  	[simem:s6], [sflag:s4] =	dma.local [hbm:s3], $0xF7A  }
0x26: {  	[smem:$0x3F95] =	sst s1;
	(tag) =	ssettag s2;
	_ =	strace s9  }
0x27: {  	s1 =	sld [smem:$0x3FA5]  }
0x28: {  	s2 =	sld [smem:$0x3FA6]  }
0x29: {  	s4 =	sld [smem:$0x3FA8]  }
0x2a: {  	p0 =	seq.s32 s5, $0x0;
	s5 =	sld [smem:$0x3FA9]  }
0x2b: {  	s6 =	sld [smem:$0x3FAA]  }
0x2c: {  	s7 =	sld [smem:$0x3FAB]  }
0x2d: {  	s3 =	simm.s32 $0x108;
	s8 =	sld [smem:$0x3FAC]  }
0x2e: {  	s3 =	simm.s32 @!p0 $0x1082;
	s9 =	sld [smem:$0x3FAD]  }
0x2f: {  	lr =	sadd.s32 s0, s3;
	s0 =	sld [smem:$0x3FA4]  }
0x30: {  	s3 =	sld [smem:$0x3FA7]  }
0x31: {  	[smem:$0x3FB0] =	sst s10  }
0x32: {  	s10 =	sld [smem:$0x3FAE];
	_ =	sdelay $0x3  }
0x33: {  	p0 =	seq.s32 s10, $0x1;
	s10 =	sld [smem:$0x3FB0];
	_ =	sdelay $0x3  }
0x34: {  	[smem:$0x3FB0] =	sst s10  }
0x35: {  	s10 =	sld [smem:$0x3FAF];
	_ =	sdelay $0x3  }
0x36: {  	p1 =	seq.s32 s10, $0x1;
	s10 =	sld [smem:$0x3FB0];
	_ =	sdelay $0x3  }
0x37: {  	[smem:$0x3FB0] =	sst s10  }
0x38: {  	s10 =	sld [smem:$0x3FB1]  }
0x39: {  	_ = 	snop;
	(pc) =	sbr.ind lr, $3  }
0x3a: {  	_ = 	snop  }
0x3b: {  	_ = 	snop  }
0x3c: {  	p2 =	seq.s32 s10, $0x1;
	s10 =	sld [smem:$0x3FB0]  }
0x3d: {  	_ =	shalt  }
0x3e: {  	_ =	shalt  }
0x3f: {  	_ =	shalt  }
0x40: {  	_ =	shalt  }
0x41: {  	_ =	shalt  }
0x42: {  	_ =	shalt  }
0x43: {  	_ =	shalt  }
0x44: {  	_ =	shalt  }
0x45: {  	_ =	shalt  }
0x46: {  	_ =	shalt  }
0x47: {  	_ =	shalt  }
0x48: {  	_ =	shalt  }
0x49: {  	_ =	shalt  }
0x4a: {  	_ =	shalt  }
0x4b: {  	_ =	shalt  }
0x4c: {  	_ =	shalt  }
0x4d: {  	_ =	shalt  }
0x4e: {  	_ =	shalt  }
0x4f: {  	_ =	shalt  }
0x50: {  	_ =	shalt  }
0x51: {  	_ =	shalt  }
0x52: {  	_ =	shalt  }
0x53: {  	_ =	shalt  }
0x54: {  	_ =	shalt  }
0x55: {  	_ =	shalt  }
0x56: {  	_ =	shalt  }
0x57: {  	_ =	shalt  }
0x58: {  	_ =	shalt  }
0x59: {  	_ =	shalt  }
0x5a: {  	_ =	shalt  }
0x5b: {  	_ =	shalt  }
0x5c: {  	_ =	shalt  }
0x5d: {  	_ =	shalt  }
0x5e: {  	_ =	shalt  }
0x5f: {  	_ =	shalt  }
0x60: {  	_ =	shalt  }
0x61: {  	_ =	shalt  }
0x62: {  	_ =	shalt  }
0x63: {  	_ =	shalt  }
0x64: {  	_ =	shalt  }
0x65: {  	_ =	shalt  }
0x66: {  	_ =	shalt  }
0x67: {  	_ =	shalt  }
0x68: {  	_ =	shalt  }
0x69: {  	_ =	shalt  }
0x6a: {  	_ =	shalt  }
0x6b: {  	_ =	shalt  }
0x6c: {  	_ =	shalt  }
0x6d: {  	_ =	shalt  }
0x6e: {  	_ =	shalt  }
0x6f: {  	_ =	shalt  }
0x70: {  	_ =	shalt  }
0x71: {  	_ =	shalt  }
0x72: {  	_ =	shalt  }
0x73: {  	_ =	shalt  }
0x74: {  	_ =	shalt  }
0x75: {  	_ =	shalt  }
0x76: {  	_ =	shalt  }
0x77: {  	_ =	shalt  }
0x78: {  	_ =	shalt  }
0x79: {  	_ =	shalt  }
0x7a: {  	_ =	shalt  }
0x7b: {  	_ =	shalt  }
0x7c: {  	_ =	shalt  }
0x7d: {  	_ =	shalt  }
0x7e: {  	_ =	shalt  }
0x7f: {  	_ =	shalt  }
0x80: {  	_ =	shalt  }
0x81: {  	_ =	shalt  }
0x82: {  	_ =	shalt  }
0x83: {  	_ =	shalt  }
0x84: {  	_ =	shalt  }
0x85: {  	_ =	shalt  }
0x86: {  	_ =	shalt  }
0x87: {  	_ =	shalt  }
.Lfunc_end0:
.L_simem_size_0:
called_computation.1_lowered:
.L_overlay_start_0:
0x88: {  	s2 =	sld [smem:$0x3FD9]  }
0x89: {  	s3 =	sld [smem:$0x3FFE];
	_ =	sdelay $0x1  }
0x8a: {  	s1 =	srdreg.scid  }
0x8b: {  	s0 =	sand.u32 $0x1, s1  }
0x8c: {  	s16 =	sshll.u32 s0, $0xA;
	s2 =	sadd.s32 s3, s2  }
0x8d: {  	s2 =	sadd.s32 s2, s16  }
0x8e: {  	[smem:$0x3FBC] =	sst s2  }
0x8f: {  	_ = 	snop  }
0x90: {  	(tm) =	ssettm $0x1  }
0x91: {  	s17 =	sld [smem:$0x3FFB];
	_ =	sdelay $0x3  }
0x92: {  	_ =	strace s17  }
0x93: {  	s2 =	sld [smem:$0x3FFC];
	_ =	sdelay $0x3  }
0x94: {  	_ =	strace s2  }
0x95: {  	s2 =	sld [smem:$0x3FFD];
	_ =	sdelay $0x3  }
0x96: {  	_ =	strace s2  }
0x97: {  	_ =	strace $0x8FFFFFFF  }
0x98: {  	s18 =	sld [smem:$0x3FDB];
	_ =	sdelay $0x1  }
0x99: {  	s19 =	simm.s32 $_scs_section_size  }
0x9a: {  	s4 =	simm.s32 $_size__tile_overlayer_lowered;
	s5 =	simm.s32 $_tile_overlayer_lowered  }
0x9b: {  	s22 =	simm.s32 $0x1BFF;
	s21 =	sshll.u32 s5, $0x1;
	s2 =	sadd.s32 s19, s18  }
0x9c: {  	s6 =	simm.s32 $0x0;
	s20 =	sshll.u32 s4, $0x1;
	s4 =	sadd.s32 s21, s2  }
0x9d: {  	[timem:s6], [sflag:s22] =	dma.local [hbm:s4], s20  }
0x9e: {  	_ =	swait.ge [sflag:s22], s20  }
0x9f: {  	s3 =	ssub.s32 $0x0, s20;
	[sflag:s22] =	ssyncset.done $0x0  }
0xa0: {  	[sflag:s22] =	ssyncadd.s32 s3;
	_ =	sdelay $0x1  }
0xa1: {  	s23 =	simm.s32 $0x1B8B  }
0xa2: {  	_ =	swait.ge [sflag:s23], $0x1  }
0xa3: {  	[sflag:s23] =	ssyncset.done $0x0  }
0xa4: {  	s25 =	simm.s32 $0x1B8E;
	s24 =	sld [smem:$0x3FFE];
	[sflag:s23] =	ssyncadd.s32 $0xFFFFFFFF  }
0xa5: {  	s26 =	simm.s32 $execute0_lowered;
	[smem:$0x3FD2] =	sst s25  }
0xa6: {  	s4 =	sshll.u32 s26, $0x1;
	_ =	strace $0x80000049;
	[dreg:$0x1] =	wrdreg $0xFFFFFFFF  }
0xa7: {  	s28 =	simm.s32 $_size_execute0_lowered;
	s2 =	sadd.s32 s2, s4;
	[dreg:$0x0] =	wrdreg $0x0  }
0xa8: {  	s4 =	sshll.u32 s28, $0x1;
	[dreg:$0x2] =	wrdreg s2  }
0xa9: {  	[dreg:$0x3] =	wrdreg s4  }
0xaa: {  	[dreg:$0x4] =	wrdreg $0xC0  }
0xab: {  	_ =	task [dreg:s6], $0x5FFFF  }
0xac: {  	[dreg:$0x1] =	wrdreg $0xFFFFFFFF  }
0xad: {  	[dreg:$0x0] =	wrdreg $0x60  }
0xae: {  	[dreg:$0x2] =	wrdreg s24  }
0xaf: {  	[dreg:$0x3] =	wrdreg $0xD0000  }
0xb0: {  	[dreg:$0x4] =	wrdreg $0x172000  }
0xb1: {  	[dreg:$0x5] =	wrdreg $0x9  }
0xb2: {  	_ =	task.clear_ibuf [dreg:s6], $0x6FFFF;
	_ =	strace $0x90000049  }
0xb3: {  	s29 =	simm.s32 $0x9;
	_ =	strace $0x8000004B  }
0xb4: {  	_ =	swait.ge [sflag:s29], $0x1  }
0xb5: {  	[sflag:s29] =	ssyncadd.s32 $0xFFFFFFFF  }
0xb6: {  	_ =	strace $0x9000004B  }
0xb7: {  	_ =	sfence  }
0xb8: {  	s30 =	sld [smem:$0x0];
	_ =	sdelay $0x2  }
0xb9: {  	s31 =	sshll.u32 s1, $0xD;
	s1 =	sshrl.u32 s1, $0x2  }
0xba: {  	s3 =	sand.u32 $0x4000, s31;
	s1 =	sadd.s32 s1, s30  }
0xbb: {  	s0 =	sor.u32 s3, s0;
	s1 =	sshll.u32 s1, $0x11  }
0xbc: {  	s0 =	sor.u32 s1, s0  }
0xbd: {  	s0 =	sadd.s32 $0x8F2B, s0  }
0xbe: {  	[sflag:s0] =	ssyncadd.remote.s32 $0x1  }
0xbf: {  	_ =	sfence.sel $0xFFFF  }
0xc0: {  	[dreg:$0x0] =	wrdreg $0xFFFFFFFF;
	(pc) =	sbr.abs _section_cstart, $3  }
0xc1: {  	[dreg:$0x1] =	wrdreg $0xFFFFFFFF  }
0xc2: {  	_ =	task.clear_ibuf [dreg:s6], $0x2FFFF;
	_ =	strace $0x9FFFFFFF  }
0xc3: {  	(tm) =	ssettm $0x7FFFFFFF  }
tec
execute0_lowered:
.L_overlay_start_1:
0x0: {  	(tag) =	ssettag $0x1  }
0x1: {  	s1 =	rddreg [dreg:$0x0]  }
0x2: {  	s0 =	srdreg.scid;
	s2 =	rddreg [dreg:$0x1]  }
0x3: {  	s14 =	stileid.u32;
	s3 =	rddreg [dreg:$0x2];
	s5 =	simm.s32 $0x0  }
0x4: {  	s15 =	simm.s32 $0x11;
	s18 =	simm.s32 $0x80;
	s28 =	simm.s32 $0x9000  }
0x5: {  	s29 =	simm.s32 $0x17100;
	s30 =	simm.s32 $0x2;
	s31 =	simm.s32 $0xA  }
0x6: {  	s0 =	sand.u32 $0x1, s0;
	[smem:$0x7FF] =	sst s5;
	s7 =	smul.u32 $0xA000, s14  }
0x7: {  	s5 =	sadd.s32 $0x18000, s1;
	s8 =	smul.u32 $0x280, s14;
	s6 =	sadd.s32 $0xD600, s1  }
0x8: {  	s26 =	sshll.u32 s14, $0x6;
	s4 =	sshll.u32 s0, $0x4;
	s9 =	smul.u32 $0xA0000, s0  }
0x9: {  	_ =	strace $0x8000004A;
	s12 =	smul.u32 $0x2800, s0;
	s0 =	ssub.s32 $0x2, s0  }
0xa: {  	s17 =	sor.u32 $0x1C11, s26;
	s26 =	simm.s32 $0x9;
	s4 =	sor.u32 s14, s4  }
0xb: {  	s10 =	sshrl.u32 s7, $0x3;
	s11 =	sshrl.u32 s8, $0x3;
	s13 =	sshrl.u32 s0, $0x1  }
0xc: {  	s21 =	sadd.s32 s7, s2;
	s23 =	sadd.s32 s8, s3;
	s14 =	simm.s32 $0x0  }
0xd: {  	[dreg:$0xd] =	wrdreg s17;
	s4 =	smul.u32 $0x500, s4;
	s10 =	sadd.s32 s10, s1  }
0xe: {  	s11 =	sadd.s32 s11, s1;
	s9 =	sadd.s32 s7, s9;
	[dreg:$0x6] =	wrdreg s21  }
0xf: {  	s12 =	sadd.s32 s8, s12;
	s0 =	ssub.s32 s0, s13;
	[dreg:$0x8] =	wrdreg s23  }
0x10: {  	s21 =	simm.s32 $0x7000;
	s23 =	simm.s32 $0x17080;
	s7 =	simm.s32 $0xB  }
0x11: {  	s8 =	simm.s32 $0x5;
	s13 =	simm.s32 $0xE;
	s9 =	sshrl.u32 s9, $0x3  }
0x12: {  	s12 =	sshrl.u32 s12, $0x3;
	s22 =	sadd.s32 $0x2C000, s10;
	s24 =	sadd.s32 $0xD000, s11  }
0x13: {  	s0 =	smax.u32 s0, $0x1;
	s10 =	simm.s32 $0x4;
	[dreg:$0x7] =	wrdreg s22  }
0x14: {  	s11 =	simm.s32 $0xC;
	s4 =	sadd.s32 s4, s1;
	[dreg:$0x9] =	wrdreg s24  }
0x15: {  	s9 =	sadd.s32 s9, s1;
	s1 =	sadd.s32 s12, s1;
	[dreg:$0xc] =	wrdreg s0  }
.Ltmp0:
0x16: {  	s0 =	simm.s32 $0x17180;
	s20 =	sadd.s32 $0xE000, s4;
	(pc) =	sbr.rel .LBB2_1-.Ltmp0, $4  }
0x17: {  	s22 =	simm.s32 $0x3;
	s4 =	sadd.s32 $0x3000, s4;
	[dreg:$0x4] =	wrdreg s20  }
0x18: {  	s12 =	simm.s32 $0x6;
	s25 =	sadd.s32 $0x40000, s9;
	[dreg:$0x5] =	wrdreg s4  }
0x19: {  	s1 =	sadd.s32 $0x68000, s1;
	s9 =	simm.s32 $0xD;
	[dreg:$0xa] =	wrdreg s25  }
0x1a: {  	[dreg:$0xb] =	wrdreg s1;
	s25 =	simm.s32 $0x1;
	s1 =	simm.s32 $0xB000  }
.LBB2_4:
0x1b: {  	s4 =	simm.s32 $0x7  }
0x1c: {  	_ =	swait.ge [sflag:s4], $0x2000  }
0x1d: {  	[sflag:s4] =	ssyncset.done $0x0  }
0x1e: {  	s20 =	simm.s32 $0xF;
	[sflag:s4] =	ssyncadd.s32 $0xFFFFE000  }
0x1f: {  	_ =	swait.ge [sflag:s20], $0x80  }
0x20: {  	[sflag:s20] =	ssyncset.done $0x0  }
0x21: {  	s24 =	simm.s32 $0x8;
	[sflag:s20] =	ssyncadd.s32 $0xFFFFFF80  }
0x22: {  	_ =	swait.ge [sflag:s24], $0x2000  }
0x23: {  	[sflag:s24] =	ssyncset.done $0x0  }
0x24: {  	s14 =	simm.s32 $0x10;
	[sflag:s24] =	ssyncadd.s32 $0xFFFFE000  }
0x25: {  	_ =	swait.ge [sflag:s14], $0x80  }
0x26: {  	[sflag:s14] =	ssyncset.done $0x0  }
0x27: {  	[sflag:s14] =	ssyncadd.s32 $0xFFFFFF80  }
0x28: {  	[bflag:$0x0] =	sbarrier.arrive $0xFFFF  }
0x29: {  	s15 =	rddreg [dreg:$0xa]  }
0x2a: {  	s17 =	rddreg [dreg:$0xd]  }
0x2b: {  	s14 =	rddreg [dreg:$0xf]  }
0x2c: {  	[hbm:s15], [sflag:s17] =	dma.local [spmem:s14], $0x1400  }
0x2d: {  	s15 =	simm.s32 $0x11  }
0x2e: {  	_ =	swait.ge [sflag:s15], $0x1400  }
0x2f: {  	[sflag:s15] =	ssyncset.done $0x0;
	s16 =	rddreg [dreg:$0xb]  }
0x30: {  	s19 =	rddreg [dreg:$0x10];
	[sflag:s15] =	ssyncadd.s32 $0xFFFFEC00  }
0x31: {  	[hbm:s16], [sflag:s17] =	dma.local [spmem:s19], $0x50  }
0x32: {  	_ =	swait.ge [sflag:s15], $0x50  }
0x33: {  	s20 =	rddreg [dreg:$0xe]  }
0x34: {  	s24 =	rddreg [dreg:$0xc];
	s14 =	sadd.s32 $0x1, s20  }
0x35: {  	p0 =	sne.s32 s14, s24  }
.Ltmp1:
0x36: {  	_ = 	snop;
	(pc) =	sbr.rel @!p0 .LBB2_5-.Ltmp1, $3  }
0x37: {  	_ =	sdelay $0x1  }
0x38: {  	[sflag:s15] =	ssyncset.done $0x0  }
0x39: {  	[sflag:s15] =	ssyncadd.s32 $0xFFFFFFB0  }
.LBB2_1:
0x3a: {  	[dreg:$0xe] =	wrdreg s14  }
0x3b: {  	s4 =	simm.s32 $0x0;
	s19 =	rddreg [dreg:$0x4]  }
0x3c: {  	[tilespmem:s4], [sflag:$0x11] =	stream.linear.gather [hbm4b:s19+s4], $0x2800, $0x38;
	[tilespmem:$0x17480] =	vst v63  }
0x3d: {  	_ =	swait.ge [sflag:s15], $0x2800  }
0x3e: {  	[sflag:s15] =	ssyncset.done $0x0  }
0x3f: {  	s16 =	simm.s32 $0x2800;
	s20 =	rddreg [dreg:$0x5];
	[sflag:s15] =	ssyncadd.s32 $0xFFFFD800  }
0x40: {  	[tilespmem:s16], [sflag:$0x11] =	stream.linear.gather [hbm4b:s20+s4], $0x2800, $0x38;
	[tilespmem:$0x17480] =	vst v63  }
0x41: {  	_ =	swait.ge [sflag:s15], $0x2800  }
0x42: {  	[sflag:s15] =	ssyncset.done $0x0  }
0x43: {  	s24 =	simm.s32 $0x5000;
	[sflag:s15] =	ssyncadd.s32 $0xFFFFD800  }
0x44: {  	[tilespmem:s24], [sflag:$0x1] =	stream.indirect.gather [hbm4b:s5+s18], $0x40, s4, s18, $0xb8;
	[tilespmem:$0x17480] =	vst v63  }
0x45: {  	s19 =	simm.s32 $0x17000;
	s24 =	rddreg [dreg:$0x6]  }
0x46: {  	[tilespmem:s19], [sflag:$0x9] =	stream.indirect.gather [hbm4b:s6+s18], $0x1, s16, s18, $0xb8;
	[tilespmem:$0x17480] =	vst v63  }
0x47: {  	s4 =	sshrl.u32 s24, $0x3;
	s16 =	rddreg [dreg:$0x7]  }
0x48: {  	[tilespmem:s21], [sflag:$0x2] =	stream.indirect.gather [hbm4b:s5+s18], $0x40, s18, s18, $0xb8;
	[tilespmem:$0x17480] =	vst v63  }
0x49: {  	s20 =	simm.s32 $0x2880;
	[dreg:$0xf] =	wrdreg s4  }
0x4a: {  	[tilespmem:s23], [sflag:$0xA] =	stream.indirect.gather [hbm4b:s6+s18], $0x1, s20, s18, $0xb8;
	[tilespmem:$0x17480] =	vst v63  }
0x4b: {  	[spmem:s4], [sflag:s17] =	dma.local [hbm:s16], $0x1400  }
0x4c: {  	_ =	swait.ge [sflag:s15], $0x1400  }
0x4d: {  	s19 =	rddreg [dreg:$0x8]  }
0x4e: {  	[sflag:s15] =	ssyncset.done $0x0;
	s24 =	rddreg [dreg:$0x9];
	s20 =	sshrl.u32 s19, $0x3  }
0x4f: {  	[sflag:s15] =	ssyncadd.s32 $0xFFFFEC00;
	[dreg:$0x10] =	wrdreg s20  }
0x50: {  	[spmem:s20], [sflag:s17] =	dma.local [hbm:s24], $0x50  }
0x51: {  	_ =	swait.ge [sflag:s15], $0x50  }
0x52: {  	[sflag:s15] =	ssyncset.done $0x0  }
0x53: {  	[sflag:s15] =	ssyncadd.s32 $0xFFFFFFB0  }
0x54: {  	s4 =	simm.s32 $0x0;
	[bflag:$0x0] =	sbarrier.arrive $0xFFFF  }
.LBB2_2:
0x55: {  	_ =	swait.ge [sflag:s25], $0x2000  }
0x56: {  	[sflag:s25] =	ssyncset.done $0x0  }
0x57: {  	[sflag:s25] =	ssyncadd.s32 $0xFFFFE000  }
0x58: {  	_ =	swait.ge [sflag:s26], $0x80  }
0x59: {  	s14 =	sshra.s32 s4, $0x2;
	s16 =	simm.s32 $0x5000;
	[sflag:s26] =	ssyncset.done $0x0  }
0x5a: {  	p0 =	seq.s32 s4, $0x0;
	s15 =	sadd.s32 $0x2800, s14;
	[sflag:s26] =	ssyncadd.s32 $0xFFFFFF80  }
0x5b: {  	[spmem:s2] =	stream.indirect.scatter.add.f32 [tilespmem:s16], [sflag:$0x5], $0x40, s15, s18, $0xb8;
	[tilespmem:$0x17480] =	vst v63  }
0x5c: {  	s17 =	simm.s32 $0x17000;
	s15 =	simm.s32 @!p0 $0x7  }
0x5d: {  	[spmem:s3] =	stream.indirect.scatter.add.f32 [tilespmem:s17], [sflag:$0xD], $0x1, s14, s18, $0xb8;
	[tilespmem:$0x17480] =	vst v63  }
0x5e: {  	_ =	swait.ge @!p0 [sflag:s15], $0x2000  }
0x5f: {  	[sflag:s15] =	ssyncset.done @!p0 $0x0  }
0x60: {  	[sflag:s15] =	ssyncadd.s32 @!p0 $0xFFFFE000;
	s15 =	simm.s32 @!p0 $0xF  }
0x61: {  	_ =	swait.ge @!p0 [sflag:s15], $0x80  }
0x62: {  	[sflag:s15] =	ssyncset.done @!p0 $0x0  }
0x63: {  	s19 =	sadd.s32 $0x100, s14;
	[sflag:s15] =	ssyncadd.s32 @!p0 $0xFFFFFF80  }
0x64: {  	[tilespmem:s28], [sflag:$0x3] =	stream.indirect.gather [hbm4b:s5+s18], $0x40, s19, s18, $0xb8;
	[tilespmem:$0x17480] =	vst v63  }
0x65: {  	s24 =	sadd.s32 $0x2900, s14  }
0x66: {  	[tilespmem:s29], [sflag:$0xB] =	stream.indirect.gather [hbm4b:s6+s18], $0x1, s24, s18, $0xb8;
	[tilespmem:$0x17480] =	vst v63  }
0x67: {  	_ =	swait.ge [sflag:s30], $0x2000  }
0x68: {  	[sflag:s30] =	ssyncset.done $0x0  }
0x69: {  	[sflag:s30] =	ssyncadd.s32 $0xFFFFE000  }
0x6a: {  	_ =	swait.ge [sflag:s31], $0x80  }
0x6b: {  	[sflag:s31] =	ssyncset.done $0x0  }
0x6c: {  	s17 =	sadd.s32 $0x2880, s14;
	[sflag:s31] =	ssyncadd.s32 $0xFFFFFF80  }
0x6d: {  	[spmem:s2] =	stream.indirect.scatter.add.f32 [tilespmem:s21], [sflag:$0x6], $0x40, s17, s18, $0xb8;
	[tilespmem:$0x17480] =	vst v63  }
0x6e: {  	s20 =	sadd.s32 $0x80, s14;
	s17 =	simm.s32 @!p0 $0x8  }
0x6f: {  	[spmem:s3] =	stream.indirect.scatter.add.f32 [tilespmem:s23], [sflag:$0xE], $0x1, s20, s18, $0xb8;
	[tilespmem:$0x17480] =	vst v63  }
0x70: {  	_ =	swait.ge @!p0 [sflag:s17], $0x2000  }
0x71: {  	[sflag:s17] =	ssyncset.done @!p0 $0x0  }
0x72: {  	[sflag:s17] =	ssyncadd.s32 @!p0 $0xFFFFE000;
	s17 =	simm.s32 @!p0 $0x10  }
0x73: {  	_ =	swait.ge @!p0 [sflag:s17], $0x80  }
0x74: {  	[sflag:s17] =	ssyncset.done @!p0 $0x0  }
0x75: {  	[sflag:s17] =	ssyncadd.s32 @!p0 $0xFFFFFF80;
	s17 =	sadd.s32 $0x180, s14  }
0x76: {  	[tilespmem:s1], [sflag:$0x4] =	stream.indirect.gather [hbm4b:s5+s18], $0x40, s17, s18, $0xb8;
	[tilespmem:$0x17480] =	vst v63  }
0x77: {  	s16 =	sadd.s32 $0x2980, s14  }
0x78: {  	[tilespmem:s0], [sflag:$0xC] =	stream.indirect.gather [hbm4b:s6+s18], $0x1, s16, s18, $0xb8;
	[tilespmem:$0x17480] =	vst v63  }
0x79: {  	_ =	swait.ge [sflag:s22], $0x2000  }
0x7a: {  	[sflag:s22] =	ssyncset.done $0x0  }
0x7b: {  	[sflag:s22] =	ssyncadd.s32 $0xFFFFE000  }
0x7c: {  	_ =	swait.ge [sflag:s7], $0x80  }
0x7d: {  	[sflag:s7] =	ssyncset.done $0x0  }
0x7e: {  	[sflag:s7] =	ssyncadd.s32 $0xFFFFFF80  }
0x7f: {  	[spmem:s2] =	stream.indirect.scatter.add.f32 [tilespmem:s28], [sflag:$0x7], $0x40, s24, s18, $0xb8;
	[tilespmem:$0x17480] =	vst v63  }
0x80: {  	_ = 	snop  }
0x81: {  	[spmem:s3] =	stream.indirect.scatter.add.f32 [tilespmem:s29], [sflag:$0xF], $0x1, s19, s18, $0xb8;
	[tilespmem:$0x17480] =	vst v63  }
0x82: {  	_ =	swait.ge [sflag:s8], $0x2000  }
0x83: {  	[sflag:s8] =	ssyncset.done $0x0  }
0x84: {  	[sflag:s8] =	ssyncadd.s32 $0xFFFFE000  }
0x85: {  	p0 =	seq.s32 s4, $0x9800;
	_ =	swait.ge [sflag:s9], $0x80  }
0x86: {  	s15 =	sshra.s32 @!p0 s4, $0x2;
	s20 =	simm.s32 @!p0 $0x5000;
	[sflag:s9] =	ssyncset.done $0x0  }
0x87: {  	s24 =	sadd.s32 @!p0 $0x200, s15;
	s19 =	simm.s32 @!p0 $0x80;
	[sflag:s9] =	ssyncadd.s32 $0xFFFFFF80  }
0x88: {  	[tilespmem:s20], [sflag:$0x1] =	stream.indirect.gather @!p0 [hbm4b:s5+s19], $0x40, s24, s19, $0xb8;
	[tilespmem:$0x17480] =	vst v63  }
0x89: {  	s15 =	sadd.s32 @!p0 $0x2A00, s15;
	s20 =	simm.s32 @!p0 $0x17000  }
0x8a: {  	[tilespmem:s20], [sflag:$0x9] =	stream.indirect.gather @!p0 [hbm4b:s6+s19], $0x1, s15, s19, $0xb8;
	[tilespmem:$0x17480] =	vst v63  }
0x8b: {  	_ =	swait.ge [sflag:s10], $0x2000  }
0x8c: {  	[sflag:s10] =	ssyncset.done $0x0  }
0x8d: {  	[sflag:s10] =	ssyncadd.s32 $0xFFFFE000  }
0x8e: {  	_ =	swait.ge [sflag:s11], $0x80  }
0x8f: {  	[sflag:s11] =	ssyncset.done $0x0  }
0x90: {  	[sflag:s11] =	ssyncadd.s32 $0xFFFFFF80  }
0x91: {  	[spmem:s2] =	stream.indirect.scatter.add.f32 [tilespmem:s1], [sflag:$0x8], $0x40, s16, s18, $0xb8;
	[tilespmem:$0x17480] =	vst v63  }
0x92: {  	_ = 	snop  }
0x93: {  	[spmem:s3] =	stream.indirect.scatter.add.f32 [tilespmem:s0], [sflag:$0x10], $0x1, s17, s18, $0xb8;
	[tilespmem:$0x17480] =	vst v63  }
0x94: {  	_ =	swait.ge [sflag:s12], $0x2000  }
.Ltmp2:
0x95: {  	[sflag:s12] =	ssyncset.done $0x0;
	(pc) =	sbr.rel @p0 .LBB2_4-.Ltmp2, $4  }
0x96: {  	[sflag:s12] =	ssyncadd.s32 $0xFFFFE000  }
0x97: {  	_ =	swait.ge [sflag:s13], $0x80  }
0x98: {  	[sflag:s13] =	ssyncset.done $0x0  }
0x99: {  	[sflag:s13] =	ssyncadd.s32 $0xFFFFFF80  }
.Ltmp3:
0x9a: {  	(pc) =	sbr.rel .LBB2_2-.Ltmp3, $4  }
0x9b: {  	s15 =	sadd.s32 $0x280, s14  }
0x9c: {  	[tilespmem:s21], [sflag:$0x2] =	stream.indirect.gather [hbm4b:s5+s18], $0x40, s15, s18, $0xb8;
	[tilespmem:$0x17480] =	vst v63  }
0x9d: {  	s24 =	sadd.s32 $0x2A80, s14;
	s4 =	sadd.s32 $0x800, s4  }
0x9e: {  	[tilespmem:s23], [sflag:$0xA] =	stream.indirect.gather [hbm4b:s6+s18], $0x1, s24, s18, $0xb8;
	[tilespmem:$0x17480] =	vst v63  }
.LBB2_5:
0x9f: {  	_ =	sfence.sel $0x180000  }
0xa0: {  	[bflag:$0x0] =	sbarrier.arrive $0xFFFF  }
0xa1: {  	_ =	strace $0x9000004A  }
0xa2: {  	s0 =	stileid.u32;
	[bflag:$0x2] =	sbarrier.arrive $0xFFFF  }
0xa3: {  	p0 =	sne.s32 s0, $0x0;
	s0 =	rddreg [dreg:$0x3]  }
0xa4: {  	s0 =	sadd.s32 @!p0 $0x100000, s0  }
0xa5: {  	[sflag:s0] =	ssyncadd.tile.s32 @!p0 $0x1;
	_ =	shalt  }
.Lfunc_end2:
_tile_overlayer_lowered:
.L_overlay_start_2:
0xa6: {  	(tag) =	ssettag $0x2  }
0xa7: {  	s0 =	rddreg [dreg:$0x0];
	s2 =	stileid.u32  }
0xa8: {  	s1 =	rddreg [dreg:$0x1];
	p0 =	sne.s32 s2, $0x0  }
0xa9: {  	s3 =	rddreg [dreg:$0x2];
	[bflag:$0x3] =	sbarrier.arrive $0xFFFF;
	s2 =	simm.s32 @!p0 $0x1C11  }
0xaa: {  	[timem:s3], [sflag:s2] =	dma.local @!p0 [hbm:s0], s1  }
0xab: {  	s0 =	simm.s32 @!p0 $0x11  }
0xac: {  	_ =	swait.ge @!p0 [sflag:s0], s1  }
0xad: {  	s1 =	ssub.s32 @!p0 $0x0, s1;
	[sflag:s0] =	ssyncset.done @!p0 $0x0  }
0xae: {  	[sflag:s0] =	ssyncadd.s32 @!p0 s1  }
0xaf: {  	[bflag:$0x3] =	sbarrier.arrive $0xFFFF  }
0xb0: {  	_ =	shalt  }

// kernel: kernel.14.cloned.1.call-start
scs
__scs_entry_jumppad:
0x0: {  	(pc) =	sbr.rel $0x88, $3  }
0x1: {  	(tag) =	ssettag $0x0;
	lr =	simm.s32 $0x1  }
0x2: {  	[smem:$0x3F95] =	sst lr;
	_ =	strace $0xD0000000  }
0x3: {  	_ = 	snop  }
0x4: {  	_ = 	snop  }
0x5: {  	_ = 	snop  }
0x6: {  	_ = 	snop  }
0x7: {  	_ = 	snop  }
__scs_overlays_trampoline_lowered:
0x8: {  	[smem:$0x3FA4] =	sst s0  }
0x9: {  	[smem:$0x3FA5] =	sst s1  }
0xa: {  	[smem:$0x3FA6] =	sst s2  }
0xb: {  	[smem:$0x3FA7] =	sst s3  }
0xc: {  	[smem:$0x3FA8] =	sst s4  }
0xd: {  	[smem:$0x3FA9] =	sst s5  }
0xe: {  	[smem:$0x3FAA] =	sst s6  }
0xf: {  	[smem:$0x3FAB] =	sst s7  }
0x10: {  	[smem:$0x3FAC] =	sst s8  }
0x11: {  	[smem:$0x3FAD] =	sst s9;
	s0 =	simm.s32 @!p0 $0x0  }
0x12: {  	s1 =	sld [smem:$0x3F93];
	s0 =	simm.s32 @p0 $0x1  }
0x13: {  	[smem:$0x3FAE] =	sst s0;
	s0 =	simm.s32 @!p1 $0x0  }
0x14: {  	s2 =	sld [smem:$0x3F92];
	s0 =	simm.s32 @p1 $0x1  }
0x15: {  	[smem:$0x3FAF] =	sst s0;
	s0 =	simm.s32 @!p2 $0x0  }
0x16: {  	s3 =	sld [smem:$0x3FDB];
	s0 =	simm.s32 @p2 $0x1  }
0x17: {  	s4 =	simm.s32 $0x1BF5;
	[smem:$0x3FB1] =	sst s0  }
0x18: {  	s0 =	sld [smem:$0x3F94];
	_ =	swait.ge [sflag:s4], $0x0  }
0x19: {  	s7 =	sld [smem:$0x3F95]  }
0x1a: {  	s8 =	sadd.s32 $0xFFFFE003, lr  }
0x1b: {  	s9 =	sadd.s32 $0xFFFFFEF7, lr;
	s5 =	simm.s32 $0xFFFFFFFF;
	p2 =	slt.u32 s8, $0xFFFFF086  }
0x1c: {  	p1 =	slt.u32 s9, $0xF7A;
	s5 =	simm.s32 @!p2 $0x0  }
0x1d: {  	s5 =	simm.s32 @p1 $0x1;
	p0 =	seq.s32 s7, s2  }
0x1e: {  	s7 =	smul.u32 @!p0 $0xF7A, s2;
	p2 =	seq.s32 @!p0 s5, $0x0  }
0x1f: {  	s9 =	smul.u32 $0xF7A, s1;
	s8 =	simm.s32 @!p0 $0x1BF5;
	p2 =	por !p2, p0  }
0x20: {  	[sflag:s8] =	ssyncset.s32 @!p0 $0xFFFFF086;
	s6 =	sadd.s32 @!p0 s3, s7;
	s7 =	simm.s32 @!p0 $0x108  }
0x21: {  	s3 =	sadd.s32 s3, s9;
	s6 =	sadd.s32 @!p0 $0x88, s6;
	s7 =	simm.s32 @p2 $0x1082  }
0x22: {  	[simem:s7], [sflag:s8] =	dma.local @!p0 [hbm:s6], $0xF7A  }
0x23: {  	s9 =	sor.u32 $0xD0000000, s2;
	s6 =	simm.s32 $0x108;
	_ =	swait.ge @!p0 [sflag:s8], $0x0  }
0x24: {  	s3 =	sadd.s32 $0x88, s3;
	s6 =	simm.s32 @!p1 $0x1082;
	[sflag:s4] =	ssyncset.s32 $0xFFFFF086  }
0x25: {  	[simem:s6], [sflag:s4] =	dma.local [hbm:s3], $0xF7A  }
0x26: {  	[smem:$0x3F95] =	sst s1;
	(tag) =	ssettag s2;
	_ =	strace s9  }
0x27: {  	s1 =	sld [smem:$0x3FA5]  }
0x28: {  	s2 =	sld [smem:$0x3FA6]  }
0x29: {  	s4 =	sld [smem:$0x3FA8]  }
0x2a: {  	p0 =	seq.s32 s5, $0x0;
	s5 =	sld [smem:$0x3FA9]  }
0x2b: {  	s6 =	sld [smem:$0x3FAA]  }
0x2c: {  	s7 =	sld [smem:$0x3FAB]  }
0x2d: {  	s3 =	simm.s32 $0x108;
	s8 =	sld [smem:$0x3FAC]  }
0x2e: {  	s3 =	simm.s32 @!p0 $0x1082;
	s9 =	sld [smem:$0x3FAD]  }
0x2f: {  	lr =	sadd.s32 s0, s3;
	s0 =	sld [smem:$0x3FA4]  }
0x30: {  	s3 =	sld [smem:$0x3FA7]  }
0x31: {  	[smem:$0x3FB0] =	sst s10  }
0x32: {  	s10 =	sld [smem:$0x3FAE];
	_ =	sdelay $0x3  }
0x33: {  	p0 =	seq.s32 s10, $0x1;
	s10 =	sld [smem:$0x3FB0];
	_ =	sdelay $0x3  }
0x34: {  	[smem:$0x3FB0] =	sst s10  }
0x35: {  	s10 =	sld [smem:$0x3FAF];
	_ =	sdelay $0x3  }
0x36: {  	p1 =	seq.s32 s10, $0x1;
	s10 =	sld [smem:$0x3FB0];
	_ =	sdelay $0x3  }
0x37: {  	[smem:$0x3FB0] =	sst s10  }
0x38: {  	s10 =	sld [smem:$0x3FB1]  }
0x39: {  	_ = 	snop;
	(pc) =	sbr.ind lr, $3  }
0x3a: {  	_ = 	snop  }
0x3b: {  	_ = 	snop  }
0x3c: {  	p2 =	seq.s32 s10, $0x1;
	s10 =	sld [smem:$0x3FB0]  }
0x3d: {  	_ =	shalt  }
0x3e: {  	_ =	shalt  }
0x3f: {  	_ =	shalt  }
0x40: {  	_ =	shalt  }
0x41: {  	_ =	shalt  }
0x42: {  	_ =	shalt  }
0x43: {  	_ =	shalt  }
0x44: {  	_ =	shalt  }
0x45: {  	_ =	shalt  }
0x46: {  	_ =	shalt  }
0x47: {  	_ =	shalt  }
0x48: {  	_ =	shalt  }
0x49: {  	_ =	shalt  }
0x4a: {  	_ =	shalt  }
0x4b: {  	_ =	shalt  }
0x4c: {  	_ =	shalt  }
0x4d: {  	_ =	shalt  }
0x4e: {  	_ =	shalt  }
0x4f: {  	_ =	shalt  }
0x50: {  	_ =	shalt  }
0x51: {  	_ =	shalt  }
0x52: {  	_ =	shalt  }
0x53: {  	_ =	shalt  }
0x54: {  	_ =	shalt  }
0x55: {  	_ =	shalt  }
0x56: {  	_ =	shalt  }
0x57: {  	_ =	shalt  }
0x58: {  	_ =	shalt  }
0x59: {  	_ =	shalt  }
0x5a: {  	_ =	shalt  }
0x5b: {  	_ =	shalt  }
0x5c: {  	_ =	shalt  }
0x5d: {  	_ =	shalt  }
0x5e: {  	_ =	shalt  }
0x5f: {  	_ =	shalt  }
0x60: {  	_ =	shalt  }
0x61: {  	_ =	shalt  }
0x62: {  	_ =	shalt  }
0x63: {  	_ =	shalt  }
0x64: {  	_ =	shalt  }
0x65: {  	_ =	shalt  }
0x66: {  	_ =	shalt  }
0x67: {  	_ =	shalt  }
0x68: {  	_ =	shalt  }
0x69: {  	_ =	shalt  }
0x6a: {  	_ =	shalt  }
0x6b: {  	_ =	shalt  }
0x6c: {  	_ =	shalt  }
0x6d: {  	_ =	shalt  }
0x6e: {  	_ =	shalt  }
0x6f: {  	_ =	shalt  }
0x70: {  	_ =	shalt  }
0x71: {  	_ =	shalt  }
0x72: {  	_ =	shalt  }
0x73: {  	_ =	shalt  }
0x74: {  	_ =	shalt  }
0x75: {  	_ =	shalt  }
0x76: {  	_ =	shalt  }
0x77: {  	_ =	shalt  }
0x78: {  	_ =	shalt  }
0x79: {  	_ =	shalt  }
0x7a: {  	_ =	shalt  }
0x7b: {  	_ =	shalt  }
0x7c: {  	_ =	shalt  }
0x7d: {  	_ =	shalt  }
0x7e: {  	_ =	shalt  }
0x7f: {  	_ =	shalt  }
0x80: {  	_ =	shalt  }
0x81: {  	_ =	shalt  }
0x82: {  	_ =	shalt  }
0x83: {  	_ =	shalt  }
0x84: {  	_ =	shalt  }
0x85: {  	_ =	shalt  }
0x86: {  	_ =	shalt  }
0x87: {  	_ =	shalt  }
.Lfunc_end0:
.L_simem_size_0:
called_computation.2_lowered:
.L_overlay_start_0:
0x88: {  	s2 =	sld [smem:$0x3FD9]  }
0x89: {  	s3 =	sld [smem:$0x3FFE];
	_ =	sdelay $0x1  }
0x8a: {  	s1 =	srdreg.scid  }
0x8b: {  	s0 =	sand.u32 $0x1, s1  }
0x8c: {  	s16 =	sshll.u32 s0, $0xA;
	s2 =	sadd.s32 s3, s2  }
0x8d: {  	s2 =	sadd.s32 s2, s16  }
0x8e: {  	[smem:$0x3FBC] =	sst s2  }
0x8f: {  	_ = 	snop  }
0x90: {  	(tm) =	ssettm $0x1  }
0x91: {  	s17 =	sld [smem:$0x3FFB];
	_ =	sdelay $0x3  }
0x92: {  	_ =	strace s17  }
0x93: {  	s2 =	sld [smem:$0x3FFC];
	_ =	sdelay $0x3  }
0x94: {  	_ =	strace s2  }
0x95: {  	s2 =	sld [smem:$0x3FFD];
	_ =	sdelay $0x3  }
0x96: {  	_ =	strace s2  }
0x97: {  	_ =	strace $0x8FFFFFFF  }
0x98: {  	s18 =	sld [smem:$0x3FDB];
	_ =	sdelay $0x1  }
0x99: {  	s19 =	simm.s32 $_scs_section_size  }
0x9a: {  	s4 =	simm.s32 $_size__tile_overlayer_lowered;
	s5 =	simm.s32 $_tile_overlayer_lowered  }
0x9b: {  	s22 =	simm.s32 $0x1BFF;
	s21 =	sshll.u32 s5, $0x1;
	s2 =	sadd.s32 s19, s18  }
0x9c: {  	s6 =	simm.s32 $0x0;
	s20 =	sshll.u32 s4, $0x1;
	s4 =	sadd.s32 s21, s2  }
0x9d: {  	[timem:s6], [sflag:s22] =	dma.local [hbm:s4], s20  }
0x9e: {  	_ =	swait.ge [sflag:s22], s20  }
0x9f: {  	s3 =	ssub.s32 $0x0, s20;
	[sflag:s22] =	ssyncset.done $0x0  }
0xa0: {  	[sflag:s22] =	ssyncadd.s32 s3;
	_ =	sdelay $0x1  }
0xa1: {  	s23 =	simm.s32 $0x1B8B  }
0xa2: {  	_ =	swait.ge [sflag:s23], $0x1  }
0xa3: {  	[sflag:s23] =	ssyncset.done $0x0  }
0xa4: {  	s25 =	simm.s32 $0x1B8E;
	s24 =	sld [smem:$0x3FFE];
	[sflag:s23] =	ssyncadd.s32 $0xFFFFFFFF  }
0xa5: {  	s26 =	simm.s32 $execute0_lowered;
	[smem:$0x3FD2] =	sst s25  }
0xa6: {  	s4 =	sshll.u32 s26, $0x1;
	_ =	strace $0x8000004C;
	[dreg:$0x1] =	wrdreg $0xFFFFFFFF  }
0xa7: {  	s28 =	simm.s32 $_size_execute0_lowered;
	s2 =	sadd.s32 s2, s4;
	[dreg:$0x0] =	wrdreg $0x0  }
0xa8: {  	s4 =	sshll.u32 s28, $0x1;
	[dreg:$0x2] =	wrdreg s2  }
0xa9: {  	[dreg:$0x3] =	wrdreg s4  }
0xaa: {  	[dreg:$0x4] =	wrdreg $0xC0  }
0xab: {  	_ =	task [dreg:s6], $0x5FFFF  }
0xac: {  	[dreg:$0x1] =	wrdreg $0xFFFFFFFF  }
0xad: {  	[dreg:$0x0] =	wrdreg $0x60  }
0xae: {  	[dreg:$0x2] =	wrdreg s24  }
0xaf: {  	[dreg:$0x3] =	wrdreg $0xD0000  }
0xb0: {  	[dreg:$0x4] =	wrdreg $0x9  }
0xb1: {  	_ =	task.clear_ibuf [dreg:s6], $0x5FFFF;
	_ =	strace $0x9000004C  }
0xb2: {  	s29 =	simm.s32 $0x9;
	_ =	strace $0x8000004E  }
0xb3: {  	_ =	swait.ge [sflag:s29], $0x1  }
0xb4: {  	[sflag:s29] =	ssyncadd.s32 $0xFFFFFFFF  }
0xb5: {  	_ =	strace $0x9000004E  }
0xb6: {  	_ =	sfence  }
0xb7: {  	s30 =	sld [smem:$0x0];
	_ =	sdelay $0x2  }
0xb8: {  	s31 =	sshll.u32 s1, $0xD;
	s1 =	sshrl.u32 s1, $0x2  }
0xb9: {  	s3 =	sand.u32 $0x4000, s31;
	s1 =	sadd.s32 s1, s30  }
0xba: {  	s0 =	sor.u32 s3, s0;
	s1 =	sshll.u32 s1, $0x11  }
0xbb: {  	s0 =	sor.u32 s1, s0  }
0xbc: {  	s0 =	sadd.s32 $0x8F2B, s0  }
0xbd: {  	[sflag:s0] =	ssyncadd.remote.s32 $0x1  }
0xbe: {  	_ =	sfence.sel $0xFFFF  }
0xbf: {  	[dreg:$0x0] =	wrdreg $0xFFFFFFFF;
	(pc) =	sbr.abs _section_cstart, $3  }
0xc0: {  	[dreg:$0x1] =	wrdreg $0xFFFFFFFF  }
0xc1: {  	_ =	task.clear_ibuf [dreg:s6], $0x2FFFF;
	_ =	strace $0x9FFFFFFF  }
0xc2: {  	(tm) =	ssettm $0x7FFFFFFF  }
0xc3: {  	_ =	shalt  }
tec
execute0_lowered:
.L_overlay_start_1:
0x0: {  	(tag) =	ssettag $0x1  }
0x1: {  	s0 =	srdreg.scid;
	s5 =	rddreg [dreg:$0x0]  }
0x2: {  	s14 =	stileid.u32;
	s2 =	rddreg [dreg:$0x1];
	s3 =	simm.s32 $0x0  }
0x3: {  	s10 =	simm.s32 $0x9;
	s11 =	simm.s32 $0x2800;
	s12 =	simm.s32 $0x80  }
0x4: {  	s13 =	simm.s32 $0x5000;
	s17 =	simm.s32 $0x1;
	s19 =	simm.s32 $0x9000  }
0x5: {  	s20 =	simm.s32 $0x2;
	s23 =	simm.s32 $0xB000;
	s24 =	simm.s32 $0x3  }
0x6: {  	s29 =	simm.s32 $0x4;
	s31 =	simm.s32 $0x6;
	s18 =	simm.s32 $0x8  }
0x7: {  	s21 =	simm.s32 $0x0;
	s0 =	sand.u32 $0x1, s0;
	s7 =	smul.u32 $0xA000, s14  }
0x8: {  	[smem:$0x7FF] =	sst s3;
	s4 =	sadd.s32 $0x18000, s5;
	s30 =	sshll.u32 s14, $0x6  }
0x9: {  	s1 =	sshll.u32 s0, $0x4;
	s6 =	smul.u32 $0xA0000, s0;
	_ =	strace $0x8000004D  }
0xa: {  	s0 =	ssub.s32 $0x2, s0;
	s15 =	sor.u32 $0x1C09, s30;
	s1 =	sor.u32 s14, s1  }
0xb: {  	s8 =	sshrl.u32 s7, $0x3;
	s26 =	sshrl.u32 s0, $0x1;
	s28 =	sadd.s32 s7, s2  }
0xc: {  	s14 =	simm.s32 $0x7000;
	s1 =	smul.u32 $0x500, s1;
	s6 =	sadd.s32 s7, s6  }
.Ltmp0:
0xd: {  	s8 =	sadd.s32 s8, s5;
	s0 =	ssub.s32 s0, s26;
	(pc) =	sbr.rel .LBB2_1-.Ltmp0, $4  }
0xe: {  	s16 =	sshrl.u32 s28, $0x3;
	s26 =	simm.s32 $0x5;
	s6 =	sshrl.u32 s6, $0x3  }
0xf: {  	s7 =	sadd.s32 $0x2C000, s8;
	s1 =	sadd.s32 s1, s5;
	s9 =	sadd.s32 s6, s5  }
0x10: {  	s5 =	sadd.s32 $0xE000, s1;
	s6 =	sadd.s32 $0x3000, s1;
	s8 =	sadd.s32 $0x40000, s9  }
0x11: {  	s9 =	smax.u32 s0, $0x1;
	s1 =	simm.s32 $0x280;
	s0 =	simm.s32 $0x7  }
.LBB2_4:
0x12: {  	_ =	swait.ge [sflag:s29], $0x2000  }
0x13: {  	[sflag:s29] =	ssyncset.done $0x0  }
0x14: {  	[sflag:s29] =	ssyncadd.s32 $0xFFFFE000  }
0x15: {  	[spmem:s2] =	stream.indirect.scatter.add.f32 [tilespmem:s23], [sflag:$0x8], $0x40, s28, s12, $0xb8;
	[tilespmem:$0x17000] =	vst v63  }
0x16: {  	_ =	swait.ge [sflag:s31], $0x2000  }
0x17: {  	[sflag:s31] =	ssyncset.done $0x0  }
0x18: {  	[sflag:s31] =	ssyncadd.s32 $0xFFFFE000  }
0x19: {  	_ =	swait.ge [sflag:s0], $0x2000  }
0x1a: {  	[sflag:s0] =	ssyncset.done $0x0  }
0x1b: {  	[sflag:s0] =	ssyncadd.s32 $0xFFFFE000  }
0x1c: {  	_ =	swait.ge [sflag:s18], $0x2000  }
0x1d: {  	s21 =	sadd.s32 $0x1, s21;
	[sflag:s18] =	ssyncset.done $0x0  }
0x1e: {  	p0 =	sne.s32 s21, s9;
	[sflag:s18] =	ssyncadd.s32 $0xFFFFE000  }
.Ltmp1:
0x1f: {  	[bflag:$0x0] =	sbarrier.arrive $0xFFFF;
	(pc) =	sbr.rel @!p0 .LBB2_5-.Ltmp1, $4  }
0x20: {  	[hbm:s8], [sflag:s15] =	dma.local [spmem:s16], $0x1400  }
0x21: {  	_ =	swait.ge [sflag:s10], $0x1400  }
0x22: {  	[sflag:s10] =	ssyncset.done $0x0  }
0x23: {  	[sflag:s10] =	ssyncadd.s32 $0xFFFFEC00  }
.LBB2_1:
0x24: {  	[tilespmem:s3], [sflag:$0x9] =	stream.linear.gather [hbm4b:s5+s3], $0x2800, $0x38;
	[tilespmem:$0x17000] =	vst v63  }
0x25: {  	_ =	swait.ge [sflag:s10], $0x2800  }
0x26: {  	[sflag:s10] =	ssyncset.done $0x0  }
0x27: {  	[sflag:s10] =	ssyncadd.s32 $0xFFFFD800  }
0x28: {  	[tilespmem:s11], [sflag:$0x9] =	stream.linear.gather [hbm4b:s6+s3], $0x2800, $0x38;
	[tilespmem:$0x17000] =	vst v63  }
0x29: {  	_ =	swait.ge [sflag:s10], $0x2800  }
0x2a: {  	[sflag:s10] =	ssyncset.done $0x0  }
0x2b: {  	[sflag:s10] =	ssyncadd.s32 $0xFFFFD800  }
0x2c: {  	[tilespmem:s13], [sflag:$0x1] =	stream.indirect.gather [hbm4b:s4+s12], $0x40, s3, s12, $0xb8;
	[tilespmem:$0x17000] =	vst v63  }
0x2d: {  	_ = 	snop  }
0x2e: {  	[tilespmem:s14], [sflag:$0x2] =	stream.indirect.gather [hbm4b:s4+s12], $0x40, s12, s12, $0xb8;
	[tilespmem:$0x17000] =	vst v63  }
0x2f: {  	[spmem:s16], [sflag:s15] =	dma.local [hbm:s7], $0x1400  }
0x30: {  	_ =	swait.ge [sflag:s10], $0x1400  }
0x31: {  	[sflag:s10] =	ssyncset.done $0x0  }
0x32: {  	[sflag:s10] =	ssyncadd.s32 $0xFFFFEC00  }
0x33: {  	[bflag:$0x0] =	sbarrier.arrive $0xFFFF  }
0x34: {  	_ =	swait.ge [sflag:s17], $0x2000  }
0x35: {  	[sflag:s17] =	ssyncset.done $0x0  }
0x36: {  	[sflag:s17] =	ssyncadd.s32 $0xFFFFE000  }
0x37: {  	[spmem:s2] =	stream.indirect.scatter.add.f32 [tilespmem:s13], [sflag:$0x5], $0x40, s11, s12, $0xb8;
	[tilespmem:$0x17000] =	vst v63  }
0x38: {  	s22 =	simm.s32 $0x100  }
0x39: {  	[tilespmem:s19], [sflag:$0x3] =	stream.indirect.gather [hbm4b:s4+s12], $0x40, s22, s12, $0xb8;
	[tilespmem:$0x17000] =	vst v63  }
0x3a: {  	_ =	swait.ge [sflag:s20], $0x2000  }
0x3b: {  	[sflag:s20] =	ssyncset.done $0x0  }
0x3c: {  	s28 =	simm.s32 $0x2880;
	[sflag:s20] =	ssyncadd.s32 $0xFFFFE000  }
0x3d: {  	[spmem:s2] =	stream.indirect.scatter.add.f32 [tilespmem:s14], [sflag:$0x6], $0x40, s28, s12, $0xb8;
	[tilespmem:$0x17000] =	vst v63  }
0x3e: {  	s30 =	simm.s32 $0x180  }
0x3f: {  	[tilespmem:s23], [sflag:$0x4] =	stream.indirect.gather [hbm4b:s4+s12], $0x40, s30, s12, $0xb8;
	[tilespmem:$0x17000] =	vst v63  }
0x40: {  	_ =	swait.ge [sflag:s24], $0x2000  }
0x41: {  	[sflag:s24] =	ssyncset.done $0x0  }
0x42: {  	s25 =	simm.s32 $0x2900;
	[sflag:s24] =	ssyncadd.s32 $0xFFFFE000  }
0x43: {  	[spmem:s2] =	stream.indirect.scatter.add.f32 [tilespmem:s19], [sflag:$0x7], $0x40, s25, s12, $0xb8;
	[tilespmem:$0x17000] =	vst v63  }
0x44: {  	_ =	swait.ge [sflag:s26], $0x2000  }
0x45: {  	[sflag:s26] =	ssyncset.done $0x0  }
0x46: {  	s28 =	simm.s32 $0x200;
	[sflag:s26] =	ssyncadd.s32 $0xFFFFE000  }
0x47: {  	[tilespmem:s13], [sflag:$0x1] =	stream.indirect.gather [hbm4b:s4+s12], $0x40, s28, s12, $0xb8;
	[tilespmem:$0x17000] =	vst v63  }
0x48: {  	_ =	swait.ge [sflag:s29], $0x2000  }
0x49: {  	[sflag:s29] =	ssyncset.done $0x0  }
0x4a: {  	s30 =	simm.s32 $0x2980;
	[sflag:s29] =	ssyncadd.s32 $0xFFFFE000  }
0x4b: {  	[spmem:s2] =	stream.indirect.scatter.add.f32 [tilespmem:s23], [sflag:$0x8], $0x40, s30, s12, $0xb8;
	[tilespmem:$0x17000] =	vst v63  }
0x4c: {  	_ =	swait.ge [sflag:s31], $0x2000  }
0x4d: {  	[sflag:s31] =	ssyncset.done $0x0  }
0x4e: {  	s22 =	simm.s32 $0x0;
	[sflag:s31] =	ssyncadd.s32 $0xFFFFE000  }
0x4f: {  	[tilespmem:s14], [sflag:$0x2] =	stream.indirect.gather [hbm4b:s4+s12], $0x40, s1, s12, $0xb8;
	[tilespmem:$0x17000] =	vst v63  }
.LBB2_2:
0x50: {  	_ =	swait.ge [sflag:s17], $0x2000  }
0x51: {  	s25 =	sshra.s32 s22, $0x2;
	[sflag:s17] =	ssyncset.done $0x0  }
0x52: {  	s28 =	sadd.s32 $0x2A00, s25;
	[sflag:s17] =	ssyncadd.s32 $0xFFFFE000  }
0x53: {  	[spmem:s2] =	stream.indirect.scatter.add.f32 [tilespmem:s13], [sflag:$0x5], $0x40, s28, s12, $0xb8;
	[tilespmem:$0x17000] =	vst v63  }
0x54: {  	_ =	swait.ge [sflag:s0], $0x2000  }
0x55: {  	[sflag:s0] =	ssyncset.done $0x0  }
0x56: {  	s28 =	sadd.s32 $0x300, s25;
	[sflag:s0] =	ssyncadd.s32 $0xFFFFE000  }
0x57: {  	[tilespmem:s19], [sflag:$0x3] =	stream.indirect.gather [hbm4b:s4+s12], $0x40, s28, s12, $0xb8;
	[tilespmem:$0x17000] =	vst v63  }
0x58: {  	_ =	swait.ge [sflag:s20], $0x2000  }
0x59: {  	[sflag:s20] =	ssyncset.done $0x0  }
0x5a: {  	s28 =	sadd.s32 $0x2A80, s25;
	[sflag:s20] =	ssyncadd.s32 $0xFFFFE000  }
0x5b: {  	[spmem:s2] =	stream.indirect.scatter.add.f32 [tilespmem:s14], [sflag:$0x6], $0x40, s28, s12, $0xb8;
	[tilespmem:$0x17000] =	vst v63  }
0x5c: {  	_ =	swait.ge [sflag:s18], $0x2000  }
0x5d: {  	[sflag:s18] =	ssyncset.done $0x0  }
0x5e: {  	s28 =	sadd.s32 $0x380, s25;
	[sflag:s18] =	ssyncadd.s32 $0xFFFFE000  }
0x5f: {  	[tilespmem:s23], [sflag:$0x4] =	stream.indirect.gather [hbm4b:s4+s12], $0x40, s28, s12, $0xb8;
	[tilespmem:$0x17000] =	vst v63  }
0x60: {  	_ =	swait.ge [sflag:s24], $0x2000  }
0x61: {  	p0 =	seq.s32 s22, $0x9000;
	[sflag:s24] =	ssyncset.done $0x0  }
.Ltmp2:
0x62: {  	s28 =	sadd.s32 $0x2B00, s25;
	[sflag:s24] =	ssyncadd.s32 $0xFFFFE000;
	(pc) =	sbr.rel @p0 .LBB2_4-.Ltmp2, $4  }
0x63: {  	[spmem:s2] =	stream.indirect.scatter.add.f32 [tilespmem:s19], [sflag:$0x7], $0x40, s28, s12, $0xb8;
	[tilespmem:$0x17000] =	vst v63  }
0x64: {  	_ =	swait.ge [sflag:s26], $0x2000  }
0x65: {  	[sflag:s26] =	ssyncset.done $0x0  }
0x66: {  	s28 =	sadd.s32 $0x2B80, s25;
	[sflag:s26] =	ssyncadd.s32 $0xFFFFE000  }
0x67: {  	s30 =	sadd.s32 $0x400, s25  }
0x68: {  	[tilespmem:s13], [sflag:$0x1] =	stream.indirect.gather [hbm4b:s4+s12], $0x40, s30, s12, $0xb8;
	[tilespmem:$0x17000] =	vst v63  }
0x69: {  	_ =	swait.ge [sflag:s29], $0x2000  }
0x6a: {  	[sflag:s29] =	ssyncset.done $0x0  }
0x6b: {  	[sflag:s29] =	ssyncadd.s32 $0xFFFFE000  }
0x6c: {  	[spmem:s2] =	stream.indirect.scatter.add.f32 [tilespmem:s23], [sflag:$0x8], $0x40, s28, s12, $0xb8;
	[tilespmem:$0x17000] =	vst v63  }
.Ltmp3:
0x6d: {  	_ = 	snop;
	(pc) =	sbr.rel .LBB2_2-.Ltmp3, $4  }
0x6e: {  	_ =	swait.ge [sflag:s31], $0x2000  }
0x6f: {  	[sflag:s31] =	ssyncset.done $0x0  }
0x70: {  	s22 =	sadd.s32 $0x800, s22;
	s30 =	sadd.s32 $0x480, s25;
	[sflag:s31] =	ssyncadd.s32 $0xFFFFE000  }
0x71: {  	[tilespmem:s14], [sflag:$0x2] =	stream.indirect.gather [hbm4b:s4+s12], $0x40, s30, s12, $0xb8;
	[tilespmem:$0x17000] =	vst v63  }
.LBB2_5:
0x72: {  	_ =	sfence.sel $0x180000  }
0x73: {  	[bflag:$0x0] =	sbarrier.arrive $0xFFFF  }
0x74: {  	_ =	strace $0x9000004D  }
0x75: {  	s0 =	stileid.u32;
	[bflag:$0x2] =	sbarrier.arrive $0xFFFF  }
0x76: {  	p0 =	sne.s32 s0, $0x0;
	s0 =	rddreg [dreg:$0x2]  }
0x77: {  	s0 =	sadd.s32 @!p0 $0x100000, s0  }
0x78: {  	[sflag:s0] =	ssyncadd.tile.s32 @!p0 $0x1;
	_ =	shalt  }
.Lfunc_end2:
_tile_overlayer_lowered:
.L_overlay_start_2:
0x79: {  	(tag) =	ssettag $0x2  }
0x7a: {  	s0 =	rddreg [dreg:$0x0];
	s2 =	stileid.u32  }
0x7b: {  	s1 =	rddreg [dreg:$0x1];
	p0 =	sne.s32 s2, $0x0  }
0x7c: {  	s3 =	rddreg [dreg:$0x2];
	[bflag:$0x3] =	sbarrier.arrive $0xFFFF;
	s2 =	simm.s32 @!p0 $0x1C09  }
0x7d: {  	[timem:s3], [sflag:s2] =	dma.local @!p0 [hbm:s0], s1  }
0x7e: {  	s0 =	simm.s32 @!p0 $0x9  }
0x7f: {  	_ =	swait.ge @!p0 [sflag:s0], s1  }
0x80: {  	s1 =	ssub.s32 @!p0 $0x0, s1;
	[sflag:s0] =	ssyncset.done @!p0 $0x0  }
0x81: {  	[sflag:s0] =	ssyncadd.s32 @!p0 s1  }
0x82: {  	[bflag:$0x3] =	sbarrier.arrive $0xFFFF  }
0x83: {  	_ =	shalt  }

// kernel: kernel.8.cloned.1.call-start
scs
__scs_entry_jumppad:
0x0: {  	(pc) =	sbr.rel $0x88, $3  }
0x1: {  	(tag) =	ssettag $0x0;
	lr =	simm.s32 $0x1  }
0x2: {  	[smem:$0x3F95] =	sst lr;
	_ =	strace $0xD0000000  }
0x3: {  	_ = 	snop  }
0x4: {  	_ = 	snop  }
0x5: {  	_ = 	snop  }
0x6: {  	_ = 	snop  }
0x7: {  	_ = 	snop  }
__scs_overlays_trampoline_lowered:
0x8: {  	[smem:$0x3FA4] =	sst s0  }
0x9: {  	[smem:$0x3FA5] =	sst s1  }
0xa: {  	[smem:$0x3FA6] =	sst s2  }
0xb: {  	[smem:$0x3FA7] =	sst s3  }
0xc: {  	[smem:$0x3FA8] =	sst s4  }
0xd: {  	[smem:$0x3FA9] =	sst s5  }
0xe: {  	[smem:$0x3FAA] =	sst s6  }
0xf: {  	[smem:$0x3FAB] =	sst s7  }
0x10: {  	[smem:$0x3FAC] =	sst s8  }
0x11: {  	[smem:$0x3FAD] =	sst s9;
	s0 =	simm.s32 @!p0 $0x0  }
0x12: {  	s1 =	sld [smem:$0x3F93];
	s0 =	simm.s32 @p0 $0x1  }
0x13: {  	[smem:$0x3FAE] =	sst s0;
	s0 =	simm.s32 @!p1 $0x0  }
0x14: {  	s2 =	sld [smem:$0x3F92];
	s0 =	simm.s32 @p1 $0x1  }
0x15: {  	[smem:$0x3FAF] =	sst s0;
	s0 =	simm.s32 @!p2 $0x0  }
0x16: {  	s3 =	sld [smem:$0x3FDB];
	s0 =	simm.s32 @p2 $0x1  }
0x17: {  	s4 =	simm.s32 $0x1BF5;
	[smem:$0x3FB1] =	sst s0  }
0x18: {  	s0 =	sld [smem:$0x3F94];
	_ =	swait.ge [sflag:s4], $0x0  }
0x19: {  	s7 =	sld [smem:$0x3F95]  }
0x1a: {  	s8 =	sadd.s32 $0xFFFFE003, lr  }
0x1b: {  	s9 =	sadd.s32 $0xFFFFFEF7, lr;
	s5 =	simm.s32 $0xFFFFFFFF;
	p2 =	slt.u32 s8, $0xFFFFF086  }
0x1c: {  	p1 =	slt.u32 s9, $0xF7A;
	s5 =	simm.s32 @!p2 $0x0  }
0x1d: {  	s5 =	simm.s32 @p1 $0x1;
	p0 =	seq.s32 s7, s2  }
0x1e: {  	s7 =	smul.u32 @!p0 $0xF7A, s2;
	p2 =	seq.s32 @!p0 s5, $0x0  }
0x1f: {  	s9 =	smul.u32 $0xF7A, s1;
	s8 =	simm.s32 @!p0 $0x1BF5;
	p2 =	por !p2, p0  }
0x20: {  	[sflag:s8] =	ssyncset.s32 @!p0 $0xFFFFF086;
	s6 =	sadd.s32 @!p0 s3, s7;
	s7 =	simm.s32 @!p0 $0x108  }
0x21: {  	s3 =	sadd.s32 s3, s9;
	s6 =	sadd.s32 @!p0 $0x88, s6;
	s7 =	simm.s32 @p2 $0x1082  }
0x22: {  	[simem:s7], [sflag:s8] =	dma.local @!p0 [hbm:s6], $0xF7A  }
0x23: {  	s9 =	sor.u32 $0xD0000000, s2;
	s6 =	simm.s32 $0x108;
	_ =	swait.ge @!p0 [sflag:s8], $0x0  }
0x24: {  	s3 =	sadd.s32 $0x88, s3;
	s6 =	simm.s32 @!p1 $0x1082;
	[sflag:s4] =	ssyncset.s32 $0xFFFFF086  }
0x25: {  	[simem:s6], [sflag:s4] =	dma.local [hbm:s3], $0xF7A  }
0x26: {  	[smem:$0x3F95] =	sst s1;
	(tag) =	ssettag s2;
	_ =	strace s9  }
0x27: {  	s1 =	sld [smem:$0x3FA5]  }
0x28: {  	s2 =	sld [smem:$0x3FA6]  }
0x29: {  	s4 =	sld [smem:$0x3FA8]  }
0x2a: {  	p0 =	seq.s32 s5, $0x0;
	s5 =	sld [smem:$0x3FA9]  }
0x2b: {  	s6 =	sld [smem:$0x3FAA]  }
0x2c: {  	s7 =	sld [smem:$0x3FAB]  }
0x2d: {  	s3 =	simm.s32 $0x108;
	s8 =	sld [smem:$0x3FAC]  }
0x2e: {  	s3 =	simm.s32 @!p0 $0x1082;
	s9 =	sld [smem:$0x3FAD]  }
0x2f: {  	lr =	sadd.s32 s0, s3;
	s0 =	sld [smem:$0x3FA4]  }
0x30: {  	s3 =	sld [smem:$0x3FA7]  }
0x31: {  	[smem:$0x3FB0] =	sst s10  }
0x32: {  	s10 =	sld [smem:$0x3FAE];
	_ =	sdelay $0x3  }
0x33: {  	p0 =	seq.s32 s10, $0x1;
	s10 =	sld [smem:$0x3FB0];
	_ =	sdelay $0x3  }
0x34: {  	[smem:$0x3FB0] =	sst s10  }
0x35: {  	s10 =	sld [smem:$0x3FAF];
	_ =	sdelay $0x3  }
0x36: {  	p1 =	seq.s32 s10, $0x1;
	s10 =	sld [smem:$0x3FB0];
	_ =	sdelay $0x3  }
0x37: {  	[smem:$0x3FB0] =	sst s10  }
0x38: {  	s10 =	sld [smem:$0x3FB1]  }
0x39: {  	_ = 	snop;
	(pc) =	sbr.ind lr, $3  }
0x3a: {  	_ = 	snop  }
0x3b: {  	_ = 	snop  }
0x3c: {  	p2 =	seq.s32 s10, $0x1;
	s10 =	sld [smem:$0x3FB0]  }
0x3d: {  	_ =	shalt  }
0x3e: {  	_ =	shalt  }
0x3f: {  	_ =	shalt  }
0x40: {  	_ =	shalt  }
0x41: {  	_ =	shalt  }
0x42: {  	_ =	shalt  }
0x43: {  	_ =	shalt  }
0x44: {  	_ =	shalt  }
0x45: {  	_ =	shalt  }
0x46: {  	_ =	shalt  }
0x47: {  	_ =	shalt  }
0x48: {  	_ =	shalt  }
0x49: {  	_ =	shalt  }
0x4a: {  	_ =	shalt  }
0x4b: {  	_ =	shalt  }
0x4c: {  	_ =	shalt  }
0x4d: {  	_ =	shalt  }
0x4e: {  	_ =	shalt  }
0x4f: {  	_ =	shalt  }
0x50: {  	_ =	shalt  }
0x51: {  	_ =	shalt  }
0x52: {  	_ =	shalt  }
0x53: {  	_ =	shalt  }
0x54: {  	_ =	shalt  }
0x55: {  	_ =	shalt  }
0x56: {  	_ =	shalt  }
0x57: {  	_ =	shalt  }
0x58: {  	_ =	shalt  }
0x59: {  	_ =	shalt  }
0x5a: {  	_ =	shalt  }
0x5b: {  	_ =	shalt  }
0x5c: {  	_ =	shalt  }
0x5d: {  	_ =	shalt  }
0x5e: {  	_ =	shalt  }
0x5f: {  	_ =	shalt  }
0x60: {  	_ =	shalt  }
0x61: {  	_ =	shalt  }
0x62: {  	_ =	shalt  }
0x63: {  	_ =	shalt  }
0x64: {  	_ =	shalt  }
0x65: {  	_ =	shalt  }
0x66: {  	_ =	shalt  }
0x67: {  	_ =	shalt  }
0x68: {  	_ =	shalt  }
0x69: {  	_ =	shalt  }
0x6a: {  	_ =	shalt  }
0x6b: {  	_ =	shalt  }
0x6c: {  	_ =	shalt  }
0x6d: {  	_ =	shalt  }
0x6e: {  	_ =	shalt  }
0x6f: {  	_ =	shalt  }
0x70: {  	_ =	shalt  }
0x71: {  	_ =	shalt  }
0x72: {  	_ =	shalt  }
0x73: {  	_ =	shalt  }
0x74: {  	_ =	shalt  }
0x75: {  	_ =	shalt  }
0x76: {  	_ =	shalt  }
0x77: {  	_ =	shalt  }
0x78: {  	_ =	shalt  }
0x79: {  	_ =	shalt  }
0x7a: {  	_ =	shalt  }
0x7b: {  	_ =	shalt  }
0x7c: {  	_ =	shalt  }
0x7d: {  	_ =	shalt  }
0x7e: {  	_ =	shalt  }
0x7f: {  	_ =	shalt  }
0x80: {  	_ =	shalt  }
0x81: {  	_ =	shalt  }
0x82: {  	_ =	shalt  }
0x83: {  	_ =	shalt  }
0x84: {  	_ =	shalt  }
0x85: {  	_ =	shalt  }
0x86: {  	_ =	shalt  }
0x87: {  	_ =	shalt  }
.Lfunc_end0:
.L_simem_size_0:
called_computation_lowered:
.L_overlay_start_0:
0x88: {  	s2 =	sld [smem:$0x3FD9]  }
0x89: {  	s3 =	sld [smem:$0x3FFE];
	_ =	sdelay $0x1  }
0x8a: {  	s1 =	srdreg.scid  }
0x8b: {  	s0 =	sand.u32 $0x1, s1  }
0x8c: {  	s16 =	sshll.u32 s0, $0xA;
	s2 =	sadd.s32 s3, s2  }
0x8d: {  	s2 =	sadd.s32 s2, s16  }
0x8e: {  	[smem:$0x3FBC] =	sst s2  }
0x8f: {  	_ = 	snop  }
0x90: {  	(tm) =	ssettm $0x1  }
0x91: {  	s17 =	sld [smem:$0x3FFB];
	_ =	sdelay $0x3  }
0x92: {  	_ =	strace s17  }
0x93: {  	s2 =	sld [smem:$0x3FFC];
	_ =	sdelay $0x3  }
0x94: {  	_ =	strace s2  }
0x95: {  	s2 =	sld [smem:$0x3FFD];
	_ =	sdelay $0x3  }
0x96: {  	_ =	strace s2  }
0x97: {  	_ =	strace $0x8FFFFFFF  }
0x98: {  	s18 =	sld [smem:$0x3FDB];
	_ =	sdelay $0x1  }
0x99: {  	s19 =	simm.s32 $_scs_section_size  }
0x9a: {  	s4 =	simm.s32 $_size__tile_overlayer_lowered;
	s5 =	simm.s32 $_tile_overlayer_lowered  }
0x9b: {  	s22 =	simm.s32 $0x1BFF;
	s21 =	sshll.u32 s5, $0x1;
	s2 =	sadd.s32 s19, s18  }
0x9c: {  	s6 =	simm.s32 $0x0;
	s20 =	sshll.u32 s4, $0x1;
	s4 =	sadd.s32 s21, s2  }
0x9d: {  	[timem:s6], [sflag:s22] =	dma.local [hbm:s4], s20  }
0x9e: {  	_ =	swait.ge [sflag:s22], s20  }
0x9f: {  	s3 =	ssub.s32 $0x0, s20;
	[sflag:s22] =	ssyncset.done $0x0  }
0xa0: {  	[sflag:s22] =	ssyncadd.s32 s3;
	_ =	sdelay $0x1  }
0xa1: {  	s23 =	simm.s32 $0x1B8B  }
0xa2: {  	_ =	swait.ge [sflag:s23], $0x1  }
0xa3: {  	[sflag:s23] =	ssyncset.done $0x0  }
0xa4: {  	s25 =	simm.s32 $0x1B8E;
	s24 =	sld [smem:$0x3FFE];
	[sflag:s23] =	ssyncadd.s32 $0xFFFFFFFF  }
0xa5: {  	s26 =	simm.s32 $execute0_lowered;
	[smem:$0x3FD2] =	sst s25  }
0xa6: {  	s4 =	sshll.u32 s26, $0x1;
	_ =	strace $0x80000046;
	[dreg:$0x1] =	wrdreg $0xFFFFFFFF  }
0xa7: {  	s28 =	simm.s32 $_size_execute0_lowered;
	s2 =	sadd.s32 s2, s4;
	[dreg:$0x0] =	wrdreg $0x0  }
0xa8: {  	s4 =	sshll.u32 s28, $0x1;
	[dreg:$0x2] =	wrdreg s2  }
0xa9: {  	[dreg:$0x3] =	wrdreg s4  }
0xaa: {  	[dreg:$0x4] =	wrdreg $0xC0  }
0xab: {  	_ =	task [dreg:s6], $0x5FFFF  }
0xac: {  	[dreg:$0x1] =	wrdreg $0xFFFFFFFF  }
0xad: {  	[dreg:$0x0] =	wrdreg $0x60  }
0xae: {  	[dreg:$0x2] =	wrdreg s24  }
0xaf: {  	[dreg:$0x3] =	wrdreg $0x28800  }
0xb0: {  	[dreg:$0x4] =	wrdreg $0x9  }
0xb1: {  	_ =	task.clear_ibuf [dreg:s6], $0x5FFFF;
	_ =	strace $0x90000046  }
0xb2: {  	s29 =	simm.s32 $0x9;
	_ =	strace $0x80000048  }
0xb3: {  	_ =	swait.ge [sflag:s29], $0x1  }
0xb4: {  	[sflag:s29] =	ssyncadd.s32 $0xFFFFFFFF  }
0xb5: {  	_ =	strace $0x90000048  }
0xb6: {  	_ =	sfence  }
0xb7: {  	s30 =	sld [smem:$0x0];
	_ =	sdelay $0x2  }
0xb8: {  	s31 =	sshll.u32 s1, $0xD;
	s1 =	sshrl.u32 s1, $0x2  }
0xb9: {  	s3 =	sand.u32 $0x4000, s31;
	s1 =	sadd.s32 s1, s30  }
0xba: {  	s0 =	sor.u32 s3, s0;
	s1 =	sshll.u32 s1, $0x11  }
0xbb: {  	s0 =	sor.u32 s1, s0  }
0xbc: {  	s0 =	sadd.s32 $0x8F2B, s0  }
0xbd: {  	[sflag:s0] =	ssyncadd.remote.s32 $0x1  }
0xbe: {  	_ =	sfence.sel $0xFFFF  }
0xbf: {  	[dreg:$0x0] =	wrdreg $0xFFFFFFFF;
	(pc) =	sbr.abs _section_cstart, $3  }
0xc0: {  	[dreg:$0x1] =	wrdreg $0xFFFFFFFF  }
0xc1: {  	_ =	task.clear_ibuf [dreg:s6], $0x2FFFF;
	_ =	strace $0x9FFFFFFF  }
0xc2: {  	(tm) =	ssettm $0x7FFFFFFF  }
0xc3: {  	_ =	shalt  }
tec
execute0_lowered:
.L_overlay_start_1:
0x0: {  	(tag) =	ssettag $0x1  }
0x1: {  	s5 =	rddreg [dreg:$0x0]  }
0x2: {  	s0 =	srdreg.scid;
	s2 =	rddreg [dreg:$0x1]  }
0x3: {  	s3 =	simm.s32 $0x0;
	s12 =	simm.s32 $0x2800;
	s13 =	simm.s32 $0x1  }
0x4: {  	s14 =	simm.s32 $0x0;
	s4 =	sand.u32 $0x1, s0;
	s0 =	stileid.u32  }
0x5: {  	[smem:$0x7FF] =	sst s3;
	s1 =	sshll.u32 s4, $0x4;
	s7 =	smul.u32 $0x280, s0  }
0x6: {  	s8 =	smul.u32 $0x2800, s4;
	s4 =	ssub.s32 $0x2, s4;
	s1 =	sor.u32 s0, s1  }
0x7: {  	s31 =	sshll.u32 s0, $0x6;
	s10 =	sshrl.u32 s4, $0x1;
	s6 =	smul.u32 $0x500, s1  }
0x8: {  	s1 =	rddreg [dreg:$0x2];
	_ =	strace $0x80000047;
	s9 =	sshrl.u32 s7, $0x3  }
0x9: {  	s8 =	sadd.s32 s7, s8;
	s10 =	ssub.s32 s4, s10;
	s11 =	sadd.s32 s7, s2  }
0xa: {  	s9 =	sadd.s32 s9, s5;
	s8 =	sshrl.u32 s8, $0x3;
	s7 =	smax.u32 s10, $0x1  }
0xb: {  	s10 =	sshrl.u32 s11, $0x3;
	s11 =	simm.s32 $0x80;
	s6 =	sadd.s32 s6, s5  }
0xc: {  	s8 =	sadd.s32 s8, s5;
	s5 =	sadd.s32 $0xD000, s9;
	s9 =	sor.u32 $0x1C02, s31  }
0xd: {  	v0 =	vimm.f32 $1.000000000e+00;
	s4 =	sadd.s32 $0x3000, s6;
	s6 =	sadd.s32 $0xD600, s8;
	s8 =	simm.s32 $0x2  }
.LBB2_1:
0xe: {  	[tilespmem:$0x2800] =	vst v0  }
0xf: {  	[tilespmem:$0x2810] =	vst v0  }
0x10: {  	[tilespmem:$0x2820] =	vst v0  }
0x11: {  	[tilespmem:$0x2830] =	vst v0  }
0x12: {  	[tilespmem:$0x2840] =	vst v0  }
0x13: {  	[tilespmem:$0x2850] =	vst v0  }
0x14: {  	[tilespmem:$0x2860] =	vst v0  }
0x15: {  	[tilespmem:$0x2870] =	vst v0  }
0x16: {  	[tilespmem:s3], [sflag:$0x2] =	stream.linear.gather [hbm4b:s4+s3], $0x2800, $0x38;
	[tilespmem:$0x2B00] =	vst v63  }
0x17: {  	_ =	swait.ge [sflag:s8], $0x2800  }
0x18: {  	[sflag:s8] =	ssyncset.done $0x0  }
0x19: {  	[sflag:s8] =	ssyncadd.s32 $0xFFFFD800  }
0x1a: {  	[spmem:s10], [sflag:s9] =	dma.local [hbm:s5], $0x50  }
0x1b: {  	_ =	swait.ge [sflag:s8], $0x50  }
0x1c: {  	[sflag:s8] =	ssyncset.done $0x0  }
0x1d: {  	[sflag:s8] =	ssyncadd.s32 $0xFFFFFFB0  }
0x1e: {  	s15 =	simm.s32 $0x0;
	[bflag:$0x0] =	sbarrier.arrive $0xFFFF  }
.LBB2_2:
0x1f: {  	p0 =	sne.s32 s15, $0x9E00  }
.Ltmp0:
0x20: {  	_ = 	snop;
	(pc) =	sbr.rel @p0 .LBB2_2-.Ltmp0, $3  }
0x21: {  	_ =	sdelay $0x1  }
0x22: {  	s16 =	sshra.s32 s15, $0x2;
	s15 =	sadd.s32 $0x200, s15  }
0x23: {  	[spmem:s2] =	stream.indirect.scatter.add.f32 [tilespmem:s12], [sflag:$0x1], $0x1, s16, s11, $0xb8;
	[tilespmem:$0x2B00] =	vst v63  }
0x24: {  	_ =	swait.ge [sflag:s13], $0x80  }
0x25: {  	s15 =	simm.s32 $0x4F;
	[sflag:s13] =	ssyncset.done $0x0  }
.LBB2_4:
0x26: {  	p0 =	sne.s32 s15, $0x1;
	s15 =	sadd.s32 $0xFFFFFFFF, s15;
	[sflag:s13] =	ssyncadd.s32 $0xFFFFFF80  }
.Ltmp1:
0x27: {  	(pc) =	sbr.rel @p0 .LBB2_4-.Ltmp1, $3  }
0x28: {  	_ =	sdelay $0x1  }
0x29: {  	_ =	swait.ge [sflag:s13], $0x80  }
0x2a: {  	[sflag:s13] =	ssyncset.done $0x0  }
0x2b: {  	s14 =	sadd.s32 $0x1, s14  }
0x2c: {  	[sflag:s13] =	ssyncadd.s32 $0xFFFFFF80;
	p0 =	sne.s32 s14, s7  }
.Ltmp2:
0x2d: {  	[bflag:$0x0] =	sbarrier.arrive $0xFFFF;
	(pc) =	sbr.rel @p0 .LBB2_1-.Ltmp2, $4  }
0x2e: {  	[hbm:s6], [sflag:s9] =	dma.local [spmem:s10], $0x50  }
0x2f: {  	_ =	swait.ge [sflag:s8], $0x50  }
0x30: {  	[sflag:s8] =	ssyncset.done $0x0  }
0x31: {  	[sflag:s8] =	ssyncadd.s32 $0xFFFFFFB0  }
0x32: {  	_ =	sfence.sel $0x180000  }
0x33: {  	[bflag:$0x0] =	sbarrier.arrive $0xFFFF  }
0x34: {  	p0 =	sne.s32 s0, $0x0;
	_ =	strace $0x90000047  }
0x35: {  	s0 =	sadd.s32 @!p0 $0x100000, s1;
	[bflag:$0x2] =	sbarrier.arrive $0xFFFF  }
0x36: {  	[sflag:s0] =	ssyncadd.tile.s32 @!p0 $0x1;
	_ =	shalt  }
.Lfunc_end2:
_tile_overlayer_lowered:
.L_overlay_start_2:
0x37: {  	(tag) =	ssettag $0x2  }
0x38: {  	s0 =	rddreg [dreg:$0x0];
	s2 =	stileid.u32  }
0x39: {  	s1 =	rddreg [dreg:$0x1];
	p0 =	sne.s32 s2, $0x0  }
0x3a: {  	s3 =	rddreg [dreg:$0x2];
	[bflag:$0x3] =	sbarrier.arrive $0xFFFF;
	s2 =	simm.s32 @!p0 $0x1C02  }
0x3b: {  	[timem:s3], [sflag:s2] =	dma.local @!p0 [hbm:s0], s1  }
0x3c: {  	s0 =	simm.s32 @!p0 $0x2  }
0x3d: {  	_ =	swait.ge @!p0 [sflag:s0], s1  }
0x3e: {  	s1 =	ssub.s32 @!p0 $0x0, s1;
	[sflag:s0] =	ssyncset.done @!p0 $0x0  }
0x3f: {  	[sflag:s0] =	ssyncadd.s32 @!p0 s1  }
0x40: {  	[bflag:$0x3] =	sbarrier.arrive $0xFFFF  }
0x41: {  	_ =	shalt  }

</sc_bundles>
